<compile_context>
chip_gen: v7x
topology: tpu7x:2x2x1
jax: 0.10.2.dev20260603
libtpu: 0.0.44.dev20260713+nightly
codegen_flags: <defaults>
</compile_context>

<pallas_src>
import jax
import jax.numpy as jnp
from jax import lax
from jax.experimental import pallas as pl
from jax.experimental.pallas import tpu as pltpu, tpu_sc as plsc

_V = 30522
_D = 768
_H = 256
_B = 256
_S = 128
_E = 3
_OUT = 3
_NS = 16
_TG = _B // _NS


def _sc_gather_body(ids_hbm, emb_g_hbm, emb_e_hbm,
                    out_g_hbm, out_e_hbm,
                    blk_v, rows0_v, rows1_v, sem0, sem1):
    c = lax.axis_index("c")
    s = lax.axis_index("s")
    base = s * _TG
    pltpu.sync_copy(ids_hbm.at[pl.ds(base, _TG)], blk_v)

    @pl.when(c == 0)
    def _():
        cp0 = pltpu.async_copy(emb_g_hbm.at[blk_v], rows0_v, sem0)
        cp1 = pltpu.async_copy(emb_e_hbm.at[0].at[blk_v], rows1_v, sem1)
        cp0.wait()
        o0 = pltpu.async_copy(rows0_v, out_g_hbm.at[pl.ds(base, _TG)], sem0)
        cp1.wait()
        o1 = pltpu.async_copy(rows1_v, out_e_hbm.at[0, pl.ds(base, _TG)],
                              sem1)
        o0.wait()
        o1.wait()

    @pl.when(c == 1)
    def _():
        cp0 = pltpu.async_copy(emb_e_hbm.at[1].at[blk_v], rows0_v, sem0)
        cp1 = pltpu.async_copy(emb_e_hbm.at[2].at[blk_v], rows1_v, sem1)
        cp0.wait()
        o0 = pltpu.async_copy(rows0_v, out_e_hbm.at[1, pl.ds(base, _TG)],
                              sem0)
        cp1.wait()
        o1 = pltpu.async_copy(rows1_v, out_e_hbm.at[2, pl.ds(base, _TG)],
                              sem1)
        o0.wait()
        o1.wait()


def _make_sc_gather():
    return pl.kernel(
        _sc_gather_body,
        out_type=(jax.ShapeDtypeStruct((_B, _D), jnp.float32),
                  jax.ShapeDtypeStruct((_E, _B, _D), jnp.float32)),
        mesh=plsc.VectorSubcoreMesh(core_axis_name="c", subcore_axis_name="s"),
        scratch_types=[
            pltpu.VMEM((_TG,), jnp.int32),
            pltpu.VMEM((_TG, _D), jnp.float32),
            pltpu.VMEM((_TG, _D), jnp.float32),
            pltpu.SemaphoreType.DMA,
            pltpu.SemaphoreType.DMA,
        ],
    )


def _ln_rows(x, gamma, beta):
    mu = jnp.mean(x, axis=-1, keepdims=True)
    v = jnp.mean((x - mu) ** 2, axis=-1, keepdims=True)
    return (x - mu) * lax.rsqrt(v + 1e-5) * gamma + beta


def _tc_body(xg_ref, xe_ref, m0_ref, Wg_ref, bg_ref, We_ref, be_ref,
             Wg1_ref, bg1_ref, gga_ref, gbe_ref, Wg2_ref, bg2_ref,
             Wc1_ref, bc1_ref, cga_ref, cbe_ref, Wc2_ref, bc2_ref,
             out_c_ref, out_p_ref):
    f32 = jnp.float32
    m0 = m0_ref[...]
    xg = xg_ref[...] * m0
    h = jax.nn.gelu(jnp.dot(xg, Wg_ref[...], preferred_element_type=f32)
                    + bg_ref[...].reshape(1, _D))
    g = (jnp.dot(h, Wg1_ref[...], preferred_element_type=f32)
         + bg1_ref[...].reshape(1, _H))
    g = jax.nn.gelu(_ln_rows(g, gga_ref[...].reshape(1, _H),
                             gbe_ref[...].reshape(1, _H)))
    logits = (jnp.dot(g, Wg2_ref[...], preferred_element_type=f32)
              + bg2_ref[...].reshape(1, _OUT))
    lmax = jnp.max(logits, axis=-1, keepdims=True)
    e = jnp.exp(logits - lmax)
    p = e / jnp.sum(e, axis=-1, keepdims=True)
    out_p_ref[...] = p
    p0, p1, p2 = p[:, 0:1], p[:, 1:2], p[:, 2:3]
    excl2 = (p2 <= p0) & (p2 <= p1)
    excl1 = jnp.logical_not(excl2) & (p1 <= p0) & (p1 < p2)
    excl0 = jnp.logical_not(excl2) & jnp.logical_not(excl1)
    w0 = jnp.where(excl0, 0.0, p0)
    w1 = jnp.where(excl1, 0.0, p1)
    w2 = jnp.where(excl2, 0.0, p2)
    denom = w0 + w1 + w2
    ws = (w0 / denom, w1 / denom, w2 / denom)
    acc = jnp.zeros((_B, _D), f32)
    for i in range(_E):
        xe = xe_ref[i] * m0
        he = jax.nn.gelu(jnp.dot(xe, We_ref[i], preferred_element_type=f32)
                         + be_ref[i].reshape(1, _D))
        acc = acc + he * ws[i]
    c = (jnp.dot(acc, Wc1_ref[...], preferred_element_type=f32)
         + bc1_ref[...].reshape(1, _H))
    c = jax.nn.gelu(_ln_rows(c, cga_ref[...].reshape(1, _H),
                             cbe_ref[...].reshape(1, _H)))
    out_c_ref[...] = (jnp.dot(c, Wc2_ref[...], preferred_element_type=f32)
                      + bc2_ref[...].reshape(1, _OUT))


_tc_dense = pl.pallas_call(
    _tc_body,
    out_shape=(jax.ShapeDtypeStruct((_B, _OUT), jnp.float32),
               jax.ShapeDtypeStruct((_B, _OUT), jnp.float32)),
)


def kernel(input_ids, attention_mask, emb_g, W_g, b_g, emb_e, W_e, b_e,
           Wg1, bg1, g_gamma, g_beta, Wg2, bg2,
           Wc1, bc1, c_gamma, c_beta, Wc2, bc2):
    ids0 = input_ids[:, 0]
    m0 = attention_mask[:, 0].astype(jnp.float32).reshape(_B, 1)
    x_g, xe3 = _make_sc_gather()(ids0, emb_g, emb_e)

    out_c, out_p = _tc_dense(
        x_g, xe3, m0, W_g, b_g, W_e, b_e,
        Wg1, bg1, g_gamma, g_beta, Wg2, bg2,
        Wc1, bc1, c_gamma, c_beta, Wc2, bc2)
    return out_c, out_p

# --- scband reference (transcript-rebuilt; emitter-appended) ---
"""Pipeline reference for scband-mo-econtradiction-classifier-67680094650866 (READ-ONLY COPY).

The authoritative reference and input builder live on the scoring server;
editing this copy changes nothing except your own understanding.
"""

import jax, jax.numpy as jnp
import numpy as np

V = 30522
D = 768
H = 256
B = 256
S = 128
E = 3
K = 2
OUT = 3


def setup_inputs(seed: int = 0) -> dict:
    key = jax.random.key(seed)
    ks = jax.random.split(key, 24)
    sc = 0.02
    inp = {}
    inp["input_ids"] = jax.random.randint(ks[0], (B, S), 0, V, dtype=jnp.int32)
    inp["attention_mask"] = jnp.ones((B, S), dtype=jnp.int32)
    # gating encoder (simplified transformer encoder: embedding + gelu dense)
    inp["emb_g"] = jax.random.normal(ks[1], (V, D), dtype=jnp.float32) * sc
    inp["W_g"] = jax.random.normal(ks[2], (D, D), dtype=jnp.float32) * sc
    inp["b_g"] = jnp.zeros((D,), dtype=jnp.float32)
    # expert encoders (stacked)
    inp["emb_e"] = jax.random.normal(ks[3], (E, V, D), dtype=jnp.float32) * sc
    inp["W_e"] = jax.random.normal(ks[4], (E, D, D), dtype=jnp.float32) * sc
    inp["b_e"] = jnp.zeros((E, D), dtype=jnp.float32)
    # gating net: Linear(D,H) -> LN -> GELU -> Linear(H,OUT)
    inp["Wg1"] = jax.random.normal(ks[5], (D, H), dtype=jnp.float32) * sc
    inp["bg1"] = jnp.zeros((H,), dtype=jnp.float32)
    inp["g_gamma"] = jnp.ones((H,), dtype=jnp.float32)
    inp["g_beta"] = jnp.zeros((H,), dtype=jnp.float32)
    inp["Wg2"] = jax.random.normal(ks[6], (H, OUT), dtype=jnp.float32) * sc
    inp["bg2"] = jnp.zeros((OUT,), dtype=jnp.float32)
    # classifier net: Linear(D,H) -> LN -> GELU -> Linear(H,OUT)
    inp["Wc1"] = jax.random.normal(ks[7], (D, H), dtype=jnp.float32) * sc
    inp["bc1"] = jnp.zeros((H,), dtype=jnp.float32)
    inp["c_gamma"] = jnp.ones((H,), dtype=jnp.float32)
    inp["c_beta"] = jnp.zeros((H,), dtype=jnp.float32)
    inp["Wc2"] = jax.random.normal(ks[8], (H, OUT), dtype=jnp.float32) * sc
    inp["bc2"] = jnp.zeros((OUT,), dtype=jnp.float32)
    return inp


def _ln(x, g, b):
    mu = x.mean(-1, keepdims=True)
    v = ((x - mu) ** 2).mean(-1, keepdims=True)
    return (x - mu) / jnp.sqrt(v + 1e-5) * g + b


def _enc(emb, W, b, ids, mask):
    h = jnp.take(emb, ids, axis=0)
    h = h * mask[..., None].astype(h.dtype)
    h = jax.nn.gelu(h @ W + b)
    return h


def reference(input_ids, attention_mask, emb_g, W_g, b_g, emb_e, W_e, b_e,
              Wg1, bg1, g_gamma, g_beta, Wg2, bg2,
              Wc1, bc1, c_gamma, c_beta, Wc2, bc2):
    # gating encoder -> CLS embedding
    g_h = _enc(emb_g, W_g, b_g, input_ids, attention_mask)
    gating_cls = g_h[:, 0, :]
    # gating net (dropout omitted, eval mode)
    g = jax.nn.gelu(_ln(gating_cls @ Wg1 + bg1, g_gamma, g_beta))
    gating_logits = g @ Wg2 + bg2
    gating_probs = jax.nn.softmax(gating_logits, axis=-1)
    top_k_probs, top_k_idx = jax.lax.top_k(gating_probs, K)
    top_k_probs = top_k_probs / top_k_probs.sum(axis=-1, keepdims=True)
    classifier_probs = jnp.zeros_like(gating_cls)
    # traceable MoE dispatch: unselected tokens contribute zero weight
    for i in range(E):
        m = (top_k_idx == i)
        sel = m.any(axis=-1)
        sample_ids = sel[:, None].astype(input_ids.dtype) * input_ids
        sample_mask = sel[:, None].astype(attention_mask.dtype) * attention_mask
        sample_probs = jnp.sum(sel[:, None].astype(top_k_probs.dtype) * top_k_probs * m.astype(top_k_probs.dtype), axis=-1, keepdims=True)
        e_h = _enc(emb_e[i], W_e[i], b_e[i], sample_ids, sample_mask)
        classifier_probs = classifier_probs + e_h[:, 0, :] * sample_probs
    c = jax.nn.gelu(_ln(classifier_probs @ Wc1 + bc1, c_gamma, c_beta))
    classifier_logits = c @ Wc2 + bc2
    return (classifier_logits, gating_probs)

if __name__ == "__main__":
    import jax
    _d = setup_inputs()
    print(jax.jit(kernel)(*tuple(_d.values())))

</pallas_src>

<mosaic_0001>
#map = affine_map<(d0, d1) -> (0)>
#map1 = affine_map<(d0, d1) -> (0, 0)>
#map2 = affine_map<(d0, d1) -> (0, 0, 0)>
module attributes {stable_mosaic.version = 14 : i64} {
  func.func @_sc_gather_body(%arg0: i32, %arg1: i32, %arg2: memref<256xi32, #tpu.memory_space<hbm>>, %arg3: memref<30522x768xf32, #tpu.memory_space<hbm>>, %arg4: memref<3x30522x768xf32, #tpu.memory_space<hbm>>, %arg5: memref<256x768xf32, #tpu.memory_space<hbm>>, %arg6: memref<3x256x768xf32, #tpu.memory_space<hbm>>, %arg7: memref<16xi32, #tpu.memory_space<vmem>>, %arg8: memref<16x768xf32, #tpu.memory_space<vmem>>, %arg9: memref<16x768xf32, #tpu.memory_space<vmem>>, %arg10: memref<!tpu.dma_semaphore, #tpu.memory_space<semaphore_mem>>, %arg11: memref<!tpu.dma_semaphore, #tpu.memory_space<semaphore_mem>>) attributes {dimension_semantics = [#tpu.dimension_semantics<core_parallel>, #tpu.dimension_semantics<subcore_parallel>], iteration_bounds = array<i64: 2, 16>, scalar_prefetch = 0 : i64, scratch_operands = 5 : i64, tpu.core_type = #tpu.core_type<sc_vector_subcore>, window_params = [{transform_indices = #map}, {transform_indices = #map1}, {transform_indices = #map2}, {transform_indices = #map1}, {transform_indices = #map2}]} {
    %mul3A = arith.constant 16 : i32
    %mul3A_0 = arith.muli %arg1, %mul3A : i32
    "tpu.region"() ({
      %run_scoped3A = tpu.sem_alloc : memref<!tpu.dma_semaphore, #tpu.memory_space<semaphore_mem>>
      %dma_start3A = tpu.memref_slice %arg2[%mul3A_0] : memref<256xi32, #tpu.memory_space<hbm>> -> memref<16xi32, #tpu.memory_space<hbm>>
      %dma_start3A_8 = tpu.memref_slice %arg2[%mul3A_0] : memref<256xi32, #tpu.memory_space<hbm>> -> memref<16xi32, #tpu.memory_space<hbm>>
      tpu.enqueue_dma source(%dma_start3A_8 : memref<16xi32, #tpu.memory_space<hbm>>) target(%arg7 : memref<16xi32, #tpu.memory_space<vmem>>) target_semaphore(%run_scoped3A : memref<!tpu.dma_semaphore, #tpu.memory_space<semaphore_mem>>)
      %dma_wait3A = tpu.memref_slice %arg2[%mul3A_0] : memref<256xi32, #tpu.memory_space<hbm>> -> memref<16xi32, #tpu.memory_space<hbm>>
      %dma_wait3A_9 = tpu.memref_slice %arg2[%mul3A_0] : memref<256xi32, #tpu.memory_space<hbm>> -> memref<16xi32, #tpu.memory_space<hbm>>
      tpu.wait_dma2 semaphore(%run_scoped3A : memref<!tpu.dma_semaphore, #tpu.memory_space<semaphore_mem>>) src(%dma_wait3A_9 : memref<16xi32, #tpu.memory_space<hbm>>) dst(%arg7 : memref<16xi32, #tpu.memory_space<vmem>>)
      tpu.yield
    }) : () -> ()
    %eq3A = arith.constant 0 : i32
    %eq3A_1 = arith.cmpi eq, %arg0, %eq3A : i32
    %convert_element_type3A = arith.extui %eq3A_1 : i1 to i32
    %cond3A = arith.constant 0 : i32
    %cond3A_2 = arith.cmpi ne, %convert_element_type3A, %cond3A : i32
    scf.if %cond3A_2 {
      %dma_start3A = arith.constant 0 : i32
      %dma_start3A_8 = arith.constant 0 : i32
      %dma_start3A_9 = tpu.memref_slice %arg3[%dma_start3A, %dma_start3A_8] : memref<30522x768xf32, #tpu.memory_space<hbm>> -> memref<30522x768xf32, #tpu.memory_space<hbm>>
      tpu.enqueue_indirect_dma source(%dma_start3A_9 : memref<30522x768xf32, #tpu.memory_space<hbm>>) target(%arg8 : memref<16x768xf32, #tpu.memory_space<vmem>>) offsets(%arg7 : memref<16xi32, #tpu.memory_space<vmem>>) semaphore(%arg10 : memref<!tpu.dma_semaphore, #tpu.memory_space<semaphore_mem>>)
      %dma_start3A_10 = arith.constant 0 : i32
      %dma_start3A_11 = arith.constant 0 : i32
      %dma_start3A_12 = arith.constant 0 : i32
      %dma_start3A_13 = tpu.memref_slice %arg4[%dma_start3A_10, %dma_start3A_11, %dma_start3A_12] : memref<3x30522x768xf32, #tpu.memory_space<hbm>> -> memref<1x30522x768xf32, #tpu.memory_space<hbm>>
      %dma_start3A_14 = tpu.memref_squeeze %dma_start3A_13 : memref<1x30522x768xf32, #tpu.memory_space<hbm>> -> memref<30522x768xf32, #tpu.memory_space<hbm>>
      %dma_start3A_15 = arith.constant 0 : i32
      %dma_start3A_16 = arith.constant 0 : i32
      %dma_start3A_17 = tpu.memref_slice %dma_start3A_14[%dma_start3A_15, %dma_start3A_16] : memref<30522x768xf32, #tpu.memory_space<hbm>> -> memref<30522x768xf32, #tpu.memory_space<hbm>>
      tpu.enqueue_indirect_dma source(%dma_start3A_17 : memref<30522x768xf32, #tpu.memory_space<hbm>>) target(%arg9 : memref<16x768xf32, #tpu.memory_space<vmem>>) offsets(%arg7 : memref<16xi32, #tpu.memory_space<vmem>>) semaphore(%arg11 : memref<!tpu.dma_semaphore, #tpu.memory_space<semaphore_mem>>)
      %dma_wait3A = arith.constant 0 : i32
      %dma_wait3A_18 = arith.constant 0 : i32
      %dma_wait3A_19 = tpu.memref_slice %arg3[%dma_wait3A, %dma_wait3A_18] : memref<30522x768xf32, #tpu.memory_space<hbm>> -> memref<30522x768xf32, #tpu.memory_space<hbm>>
      tpu.wait_indirect_dma semaphore(%arg10 : memref<!tpu.dma_semaphore, #tpu.memory_space<semaphore_mem>>) src(%dma_wait3A_19 : memref<30522x768xf32, #tpu.memory_space<hbm>>) dst(%arg8 : memref<16x768xf32, #tpu.memory_space<vmem>>)
      %dma_start3A_20 = arith.constant 0 : i32
      %dma_start3A_21 = tpu.memref_slice %arg5[%mul3A_0, %dma_start3A_20] : memref<256x768xf32, #tpu.memory_space<hbm>> -> memref<16x768xf32, #tpu.memory_space<hbm>>
      %dma_start3A_22 = arith.constant 0 : i32
      %dma_start3A_23 = tpu.memref_slice %arg5[%mul3A_0, %dma_start3A_22] : memref<256x768xf32, #tpu.memory_space<hbm>> -> memref<16x768xf32, #tpu.memory_space<hbm>>
      tpu.enqueue_dma source(%arg8 : memref<16x768xf32, #tpu.memory_space<vmem>>) target(%dma_start3A_23 : memref<16x768xf32, #tpu.memory_space<hbm>>) target_semaphore(%arg10 : memref<!tpu.dma_semaphore, #tpu.memory_space<semaphore_mem>>)
      %dma_wait3A_24 = arith.constant 0 : i32
      %dma_wait3A_25 = arith.constant 0 : i32
      %dma_wait3A_26 = arith.constant 0 : i32
      %dma_wait3A_27 = tpu.memref_slice %arg4[%dma_wait3A_24, %dma_wait3A_25, %dma_wait3A_26] : memref<3x30522x768xf32, #tpu.memory_space<hbm>> -> memref<1x30522x768xf32, #tpu.memory_space<hbm>>
      %dma_wait3A_28 = tpu.memref_squeeze %dma_wait3A_27 : memref<1x30522x768xf32, #tpu.memory_space<hbm>> -> memref<30522x768xf32, #tpu.memory_space<hbm>>
      %dma_wait3A_29 = arith.constant 0 : i32
      %dma_wait3A_30 = arith.constant 0 : i32
      %dma_wait3A_31 = tpu.memref_slice %dma_wait3A_28[%dma_wait3A_29, %dma_wait3A_30] : memref<30522x768xf32, #tpu.memory_space<hbm>> -> memref<30522x768xf32, #tpu.memory_space<hbm>>
      tpu.wait_indirect_dma semaphore(%arg11 : memref<!tpu.dma_semaphore, #tpu.memory_space<semaphore_mem>>) src(%dma_wait3A_31 : memref<30522x768xf32, #tpu.memory_space<hbm>>) dst(%arg9 : memref<16x768xf32, #tpu.memory_space<vmem>>)
      %dma_start3A_32 = arith.constant 0 : i32
      %dma_start3A_33 = arith.constant 0 : i32
      %dma_start3A_34 = tpu.memref_slice %arg6[%dma_start3A_32, %mul3A_0, %dma_start3A_33] : memref<3x256x768xf32, #tpu.memory_space<hbm>> -> memref<1x16x768xf32, #tpu.memory_space<hbm>>
      %dma_start3A_35 = tpu.memref_squeeze %dma_start3A_34 : memref<1x16x768xf32, #tpu.memory_space<hbm>> -> memref<16x768xf32, #tpu.memory_space<hbm>>
      %dma_start3A_36 = arith.constant 0 : i32
      %dma_start3A_37 = tpu.memref_slice %arg6[%dma_start3A_32, %mul3A_0, %dma_start3A_36] : memref<3x256x768xf32, #tpu.memory_space<hbm>> -> memref<1x16x768xf32, #tpu.memory_space<hbm>>
      %dma_start3A_38 = tpu.memref_squeeze %dma_start3A_37 : memref<1x16x768xf32, #tpu.memory_space<hbm>> -> memref<16x768xf32, #tpu.memory_space<hbm>>
      tpu.enqueue_dma source(%arg9 : memref<16x768xf32, #tpu.memory_space<vmem>>) target(%dma_start3A_38 : memref<16x768xf32, #tpu.memory_space<hbm>>) target_semaphore(%arg11 : memref<!tpu.dma_semaphore, #tpu.memory_space<semaphore_mem>>)
      %dma_wait3A_39 = arith.constant 0 : i32
      %dma_wait3A_40 = tpu.memref_slice %arg5[%mul3A_0, %dma_wait3A_39] : memref<256x768xf32, #tpu.memory_space<hbm>> -> memref<16x768xf32, #tpu.memory_space<hbm>>
      %dma_wait3A_41 = arith.constant 0 : i32
      %dma_wait3A_42 = tpu.memref_slice %arg5[%mul3A_0, %dma_wait3A_41] : memref<256x768xf32, #tpu.memory_space<hbm>> -> memref<16x768xf32, #tpu.memory_space<hbm>>
      tpu.wait_dma2 semaphore(%arg10 : memref<!tpu.dma_semaphore, #tpu.memory_space<semaphore_mem>>) src(%arg8 : memref<16x768xf32, #tpu.memory_space<vmem>>) dst(%dma_wait3A_42 : memref<16x768xf32, #tpu.memory_space<hbm>>)
      %dma_wait3A_43 = arith.constant 0 : i32
      %dma_wait3A_44 = arith.constant 0 : i32
      %dma_wait3A_45 = tpu.memref_slice %arg6[%dma_wait3A_43, %mul3A_0, %dma_wait3A_44] : memref<3x256x768xf32, #tpu.memory_space<hbm>> -> memref<1x16x768xf32, #tpu.memory_space<hbm>>
      %dma_wait3A_46 = tpu.memref_squeeze %dma_wait3A_45 : memref<1x16x768xf32, #tpu.memory_space<hbm>> -> memref<16x768xf32, #tpu.memory_space<hbm>>
      %dma_wait3A_47 = arith.constant 0 : i32
      %dma_wait3A_48 = tpu.memref_slice %arg6[%dma_wait3A_43, %mul3A_0, %dma_wait3A_47] : memref<3x256x768xf32, #tpu.memory_space<hbm>> -> memref<1x16x768xf32, #tpu.memory_space<hbm>>
      %dma_wait3A_49 = tpu.memref_squeeze %dma_wait3A_48 : memref<1x16x768xf32, #tpu.memory_space<hbm>> -> memref<16x768xf32, #tpu.memory_space<hbm>>
      tpu.wait_dma2 semaphore(%arg11 : memref<!tpu.dma_semaphore, #tpu.memory_space<semaphore_mem>>) src(%arg9 : memref<16x768xf32, #tpu.memory_space<vmem>>) dst(%dma_wait3A_49 : memref<16x768xf32, #tpu.memory_space<hbm>>)
    } else {
    }
    %eq3A_3 = arith.constant 1 : i32
    %eq3A_4 = arith.cmpi eq, %arg0, %eq3A_3 : i32
    %convert_element_type3A_5 = arith.extui %eq3A_4 : i1 to i32
    %cond3A_6 = arith.constant 0 : i32
    %cond3A_7 = arith.cmpi ne, %convert_element_type3A_5, %cond3A_6 : i32
    scf.if %cond3A_7 {
      %dma_start3A = arith.constant 1 : i32
      %dma_start3A_8 = arith.constant 0 : i32
      %dma_start3A_9 = arith.constant 0 : i32
      %dma_start3A_10 = tpu.memref_slice %arg4[%dma_start3A, %dma_start3A_8, %dma_start3A_9] : memref<3x30522x768xf32, #tpu.memory_space<hbm>> -> memref<1x30522x768xf32, #tpu.memory_space<hbm>>
      %dma_start3A_11 = tpu.memref_squeeze %dma_start3A_10 : memref<1x30522x768xf32, #tpu.memory_space<hbm>> -> memref<30522x768xf32, #tpu.memory_space<hbm>>
      %dma_start3A_12 = arith.constant 0 : i32
      %dma_start3A_13 = arith.constant 0 : i32
      %dma_start3A_14 = tpu.memref_slice %dma_start3A_11[%dma_start3A_12, %dma_start3A_13] : memref<30522x768xf32, #tpu.memory_space<hbm>> -> memref<30522x768xf32, #tpu.memory_space<hbm>>
      tpu.enqueue_indirect_dma source(%dma_start3A_14 : memref<30522x768xf32, #tpu.memory_space<hbm>>) target(%arg8 : memref<16x768xf32, #tpu.memory_space<vmem>>) offsets(%arg7 : memref<16xi32, #tpu.memory_space<vmem>>) semaphore(%arg10 : memref<!tpu.dma_semaphore, #tpu.memory_space<semaphore_mem>>)
      %dma_start3A_15 = arith.constant 2 : i32
      %dma_start3A_16 = arith.constant 0 : i32
      %dma_start3A_17 = arith.constant 0 : i32
      %dma_start3A_18 = tpu.memref_slice %arg4[%dma_start3A_15, %dma_start3A_16, %dma_start3A_17] : memref<3x30522x768xf32, #tpu.memory_space<hbm>> -> memref<1x30522x768xf32, #tpu.memory_space<hbm>>
      %dma_start3A_19 = tpu.memref_squeeze %dma_start3A_18 : memref<1x30522x768xf32, #tpu.memory_space<hbm>> -> memref<30522x768xf32, #tpu.memory_space<hbm>>
      %dma_start3A_20 = arith.constant 0 : i32
      %dma_start3A_21 = arith.constant 0 : i32
      %dma_start3A_22 = tpu.memref_slice %dma_start3A_19[%dma_start3A_20, %dma_start3A_21] : memref<30522x768xf32, #tpu.memory_space<hbm>> -> memref<30522x768xf32, #tpu.memory_space<hbm>>
      tpu.enqueue_indirect_dma source(%dma_start3A_22 : memref<30522x768xf32, #tpu.memory_space<hbm>>) target(%arg9 : memref<16x768xf32, #tpu.memory_space<vmem>>) offsets(%arg7 : memref<16xi32, #tpu.memory_space<vmem>>) semaphore(%arg11 : memref<!tpu.dma_semaphore, #tpu.memory_space<semaphore_mem>>)
      %dma_wait3A = arith.constant 1 : i32
      %dma_wait3A_23 = arith.constant 0 : i32
      %dma_wait3A_24 = arith.constant 0 : i32
      %dma_wait3A_25 = tpu.memref_slice %arg4[%dma_wait3A, %dma_wait3A_23, %dma_wait3A_24] : memref<3x30522x768xf32, #tpu.memory_space<hbm>> -> memref<1x30522x768xf32, #tpu.memory_space<hbm>>
      %dma_wait3A_26 = tpu.memref_squeeze %dma_wait3A_25 : memref<1x30522x768xf32, #tpu.memory_space<hbm>> -> memref<30522x768xf32, #tpu.memory_space<hbm>>
      %dma_wait3A_27 = arith.constant 0 : i32
      %dma_wait3A_28 = arith.constant 0 : i32
      %dma_wait3A_29 = tpu.memref_slice %dma_wait3A_26[%dma_wait3A_27, %dma_wait3A_28] : memref<30522x768xf32, #tpu.memory_space<hbm>> -> memref<30522x768xf32, #tpu.memory_space<hbm>>
      tpu.wait_indirect_dma semaphore(%arg10 : memref<!tpu.dma_semaphore, #tpu.memory_space<semaphore_mem>>) src(%dma_wait3A_29 : memref<30522x768xf32, #tpu.memory_space<hbm>>) dst(%arg8 : memref<16x768xf32, #tpu.memory_space<vmem>>)
      %dma_start3A_30 = arith.constant 1 : i32
      %dma_start3A_31 = arith.constant 0 : i32
      %dma_start3A_32 = tpu.memref_slice %arg6[%dma_start3A_30, %mul3A_0, %dma_start3A_31] : memref<3x256x768xf32, #tpu.memory_space<hbm>> -> memref<1x16x768xf32, #tpu.memory_space<hbm>>
      %dma_start3A_33 = tpu.memref_squeeze %dma_start3A_32 : memref<1x16x768xf32, #tpu.memory_space<hbm>> -> memref<16x768xf32, #tpu.memory_space<hbm>>
      %dma_start3A_34 = arith.constant 0 : i32
      %dma_start3A_35 = tpu.memref_slice %arg6[%dma_start3A_30, %mul3A_0, %dma_start3A_34] : memref<3x256x768xf32, #tpu.memory_space<hbm>> -> memref<1x16x768xf32, #tpu.memory_space<hbm>>
      %dma_start3A_36 = tpu.memref_squeeze %dma_start3A_35 : memref<1x16x768xf32, #tpu.memory_space<hbm>> -> memref<16x768xf32, #tpu.memory_space<hbm>>
      tpu.enqueue_dma source(%arg8 : memref<16x768xf32, #tpu.memory_space<vmem>>) target(%dma_start3A_36 : memref<16x768xf32, #tpu.memory_space<hbm>>) target_semaphore(%arg10 : memref<!tpu.dma_semaphore, #tpu.memory_space<semaphore_mem>>)
      %dma_wait3A_37 = arith.constant 2 : i32
      %dma_wait3A_38 = arith.constant 0 : i32
      %dma_wait3A_39 = arith.constant 0 : i32
      %dma_wait3A_40 = tpu.memref_slice %arg4[%dma_wait3A_37, %dma_wait3A_38, %dma_wait3A_39] : memref<3x30522x768xf32, #tpu.memory_space<hbm>> -> memref<1x30522x768xf32, #tpu.memory_space<hbm>>
      %dma_wait3A_41 = tpu.memref_squeeze %dma_wait3A_40 : memref<1x30522x768xf32, #tpu.memory_space<hbm>> -> memref<30522x768xf32, #tpu.memory_space<hbm>>
      %dma_wait3A_42 = arith.constant 0 : i32
      %dma_wait3A_43 = arith.constant 0 : i32
      %dma_wait3A_44 = tpu.memref_slice %dma_wait3A_41[%dma_wait3A_42, %dma_wait3A_43] : memref<30522x768xf32, #tpu.memory_space<hbm>> -> memref<30522x768xf32, #tpu.memory_space<hbm>>
      tpu.wait_indirect_dma semaphore(%arg11 : memref<!tpu.dma_semaphore, #tpu.memory_space<semaphore_mem>>) src(%dma_wait3A_44 : memref<30522x768xf32, #tpu.memory_space<hbm>>) dst(%arg9 : memref<16x768xf32, #tpu.memory_space<vmem>>)
      %dma_start3A_45 = arith.constant 2 : i32
      %dma_start3A_46 = arith.constant 0 : i32
      %dma_start3A_47 = tpu.memref_slice %arg6[%dma_start3A_45, %mul3A_0, %dma_start3A_46] : memref<3x256x768xf32, #tpu.memory_space<hbm>> -> memref<1x16x768xf32, #tpu.memory_space<hbm>>
      %dma_start3A_48 = tpu.memref_squeeze %dma_start3A_47 : memref<1x16x768xf32, #tpu.memory_space<hbm>> -> memref<16x768xf32, #tpu.memory_space<hbm>>
      %dma_start3A_49 = arith.constant 0 : i32
      %dma_start3A_50 = tpu.memref_slice %arg6[%dma_start3A_45, %mul3A_0, %dma_start3A_49] : memref<3x256x768xf32, #tpu.memory_space<hbm>> -> memref<1x16x768xf32, #tpu.memory_space<hbm>>
      %dma_start3A_51 = tpu.memref_squeeze %dma_start3A_50 : memref<1x16x768xf32, #tpu.memory_space<hbm>> -> memref<16x768xf32, #tpu.memory_space<hbm>>
      tpu.enqueue_dma source(%arg9 : memref<16x768xf32, #tpu.memory_space<vmem>>) target(%dma_start3A_51 : memref<16x768xf32, #tpu.memory_space<hbm>>) target_semaphore(%arg11 : memref<!tpu.dma_semaphore, #tpu.memory_space<semaphore_mem>>)
      %dma_wait3A_52 = arith.constant 1 : i32
      %dma_wait3A_53 = arith.constant 0 : i32
      %dma_wait3A_54 = tpu.memref_slice %arg6[%dma_wait3A_52, %mul3A_0, %dma_wait3A_53] : memref<3x256x768xf32, #tpu.memory_space<hbm>> -> memref<1x16x768xf32, #tpu.memory_space<hbm>>
      %dma_wait3A_55 = tpu.memref_squeeze %dma_wait3A_54 : memref<1x16x768xf32, #tpu.memory_space<hbm>> -> memref<16x768xf32, #tpu.memory_space<hbm>>
      %dma_wait3A_56 = arith.constant 0 : i32
      %dma_wait3A_57 = tpu.memref_slice %arg6[%dma_wait3A_52, %mul3A_0, %dma_wait3A_56] : memref<3x256x768xf32, #tpu.memory_space<hbm>> -> memref<1x16x768xf32, #tpu.memory_space<hbm>>
      %dma_wait3A_58 = tpu.memref_squeeze %dma_wait3A_57 : memref<1x16x768xf32, #tpu.memory_space<hbm>> -> memref<16x768xf32, #tpu.memory_space<hbm>>
      tpu.wait_dma2 semaphore(%arg10 : memref<!tpu.dma_semaphore, #tpu.memory_space<semaphore_mem>>) src(%arg8 : memref<16x768xf32, #tpu.memory_space<vmem>>) dst(%dma_wait3A_58 : memref<16x768xf32, #tpu.memory_space<hbm>>)
      %dma_wait3A_59 = arith.constant 2 : i32
      %dma_wait3A_60 = arith.constant 0 : i32
      %dma_wait3A_61 = tpu.memref_slice %arg6[%dma_wait3A_59, %mul3A_0, %dma_wait3A_60] : memref<3x256x768xf32, #tpu.memory_space<hbm>> -> memref<1x16x768xf32, #tpu.memory_space<hbm>>
      %dma_wait3A_62 = tpu.memref_squeeze %dma_wait3A_61 : memref<1x16x768xf32, #tpu.memory_space<hbm>> -> memref<16x768xf32, #tpu.memory_space<hbm>>
      %dma_wait3A_63 = arith.constant 0 : i32
      %dma_wait3A_64 = tpu.memref_slice %arg6[%dma_wait3A_59, %mul3A_0, %dma_wait3A_63] : memref<3x256x768xf32, #tpu.memory_space<hbm>> -> memref<1x16x768xf32, #tpu.memory_space<hbm>>
      %dma_wait3A_65 = tpu.memref_squeeze %dma_wait3A_64 : memref<1x16x768xf32, #tpu.memory_space<hbm>> -> memref<16x768xf32, #tpu.memory_space<hbm>>
      tpu.wait_dma2 semaphore(%arg11 : memref<!tpu.dma_semaphore, #tpu.memory_space<semaphore_mem>>) src(%arg9 : memref<16x768xf32, #tpu.memory_space<vmem>>) dst(%dma_wait3A_65 : memref<16x768xf32, #tpu.memory_space<hbm>>)
    } else {
    }
    return
  }
}

module attributes {stable_mosaic.version = 14 : i64} {
  func.func @_tc_body(%arg0: memref<256x768xf32, #tpu.memory_space<vmem>>, %arg1: memref<3x256x768xf32, #tpu.memory_space<vmem>>, %arg2: memref<256x1xf32, #tpu.memory_space<vmem>>, %arg3: memref<768x768xf32, #tpu.memory_space<vmem>>, %arg4: memref<768xf32, #tpu.memory_space<vmem>>, %arg5: memref<3x768x768xf32, #tpu.memory_space<vmem>>, %arg6: memref<3x768xf32, #tpu.memory_space<vmem>>, %arg7: memref<768x256xf32, #tpu.memory_space<vmem>>, %arg8: memref<256xf32, #tpu.memory_space<vmem>>, %arg9: memref<256xf32, #tpu.memory_space<vmem>>, %arg10: memref<256xf32, #tpu.memory_space<vmem>>, %arg11: memref<256x3xf32, #tpu.memory_space<vmem>>, %arg12: memref<3xf32, #tpu.memory_space<vmem>>, %arg13: memref<768x256xf32, #tpu.memory_space<vmem>>, %arg14: memref<256xf32, #tpu.memory_space<vmem>>, %arg15: memref<256xf32, #tpu.memory_space<vmem>>, %arg16: memref<256xf32, #tpu.memory_space<vmem>>, %arg17: memref<256x3xf32, #tpu.memory_space<vmem>>, %arg18: memref<3xf32, #tpu.memory_space<vmem>>, %arg19: memref<256x3xf32, #tpu.memory_space<vmem>>, %arg20: memref<256x3xf32, #tpu.memory_space<vmem>>) attributes {dimension_semantics = [], scalar_prefetch = 0 : i64, scratch_operands = 0 : i64, tpu.core_type = #tpu.core_type<tc>} {
    %get3A = arith.constant 0 : index
    %get3A_0 = arith.constant 0 : index
    %get3A_1 = vector.load %arg2[%get3A, %get3A_0] : memref<256x1xf32, #tpu.memory_space<vmem>>, vector<256x1xf32>
    %get3A_2 = arith.constant 0 : index
    %get3A_3 = arith.constant 0 : index
    %get3A_4 = vector.load %arg0[%get3A_2, %get3A_3] : memref<256x768xf32, #tpu.memory_space<vmem>>, vector<256x768xf32>
    %mul3A = vector.broadcast %get3A_1 : vector<256x1xf32> to vector<256x768xf32>
    %mul3A_5 = arith.mulf %get3A_4, %mul3A : vector<256x768xf32>
    %get3A_6 = arith.constant 0 : index
    %get3A_7 = arith.constant 0 : index
    %get3A_8 = vector.load %arg3[%get3A_6, %get3A_7] : memref<768x768xf32, #tpu.memory_space<vmem>>, vector<768x768xf32>
    %dot_general3A = arith.constant dense<0.000000e+00> : vector<256x768xf32>
    %dot_general3A_9 = tpu.matmul %mul3A_5, %get3A_8, %dot_general3A {dimension_numbers = #tpu.dot_dimension_numbers<[1], [0], [0], [1], [0, 0, 1, 1], [], []>, transpose_lhs_hint = false} : vector<256x768xf32>, vector<768x768xf32>, vector<256x768xf32> -> vector<256x768xf32>
    %get3A_10 = arith.constant 0 : index
    %get3A_11 = vector.load %arg4[%get3A_10] : memref<768xf32, #tpu.memory_space<vmem>>, vector<768xf32>
    %reshape3A = vector.shape_cast %get3A_11 : vector<768xf32> to vector<1x768xf32>
    %add3A = vector.broadcast %reshape3A : vector<1x768xf32> to vector<256x768xf32>
    %add3A_12 = arith.addf %dot_general3A_9, %add3A : vector<256x768xf32>
    %integer_pow3A = arith.mulf %add3A_12, %add3A_12 : vector<256x768xf32>
    %integer_pow3A_13 = arith.mulf %add3A_12, %integer_pow3A : vector<256x768xf32>
    %mul3A_14 = arith.constant 4.471500e-02 : f32
    %mul3A_15 = vector.broadcast %mul3A_14 : f32 to vector<256x768xf32>
    %mul3A_16 = arith.mulf %mul3A_15, %integer_pow3A_13 : vector<256x768xf32>
    %add3A_17 = arith.addf %add3A_12, %mul3A_16 : vector<256x768xf32>
    %mul3A_18 = arith.constant 0.797884583 : f32
    %mul3A_19 = vector.broadcast %mul3A_18 : f32 to vector<256x768xf32>
    %mul3A_20 = arith.mulf %mul3A_19, %add3A_17 : vector<256x768xf32>
    %tanh3A = math.tanh %mul3A_20 : vector<256x768xf32>
    %add3A_21 = arith.constant 1.000000e+00 : f32
    %add3A_22 = vector.broadcast %add3A_21 : f32 to vector<256x768xf32>
    %add3A_23 = arith.addf %add3A_22, %tanh3A : vector<256x768xf32>
    %mul3A_24 = arith.constant 5.000000e-01 : f32
    %mul3A_25 = vector.broadcast %mul3A_24 : f32 to vector<256x768xf32>
    %mul3A_26 = arith.mulf %mul3A_25, %add3A_23 : vector<256x768xf32>
    %mul3A_27 = arith.mulf %add3A_12, %mul3A_26 : vector<256x768xf32>
    %get3A_28 = arith.constant 0 : index
    %get3A_29 = arith.constant 0 : index
    %get3A_30 = vector.load %arg7[%get3A_28, %get3A_29] : memref<768x256xf32, #tpu.memory_space<vmem>>, vector<768x256xf32>
    %dot_general3A_31 = arith.constant dense<0.000000e+00> : vector<256x256xf32>
    %dot_general3A_32 = tpu.matmul %mul3A_27, %get3A_30, %dot_general3A_31 {dimension_numbers = #tpu.dot_dimension_numbers<[1], [0], [0], [1], [0, 0, 1, 1], [], []>, transpose_lhs_hint = false} : vector<256x768xf32>, vector<768x256xf32>, vector<256x256xf32> -> vector<256x256xf32>
    %get3A_33 = arith.constant 0 : index
    %get3A_34 = vector.load %arg8[%get3A_33] : memref<256xf32, #tpu.memory_space<vmem>>, vector<256xf32>
    %reshape3A_35 = vector.shape_cast %get3A_34 : vector<256xf32> to vector<1x256xf32>
    %add3A_36 = vector.broadcast %reshape3A_35 : vector<1x256xf32> to vector<256x256xf32>
    %add3A_37 = arith.addf %dot_general3A_32, %add3A_36 : vector<256x256xf32>
    %get3A_38 = arith.constant 0 : index
    %get3A_39 = vector.load %arg9[%get3A_38] : memref<256xf32, #tpu.memory_space<vmem>>, vector<256xf32>
    %reshape3A_40 = vector.shape_cast %get3A_39 : vector<256xf32> to vector<1x256xf32>
    %get3A_41 = arith.constant 0 : index
    %get3A_42 = vector.load %arg10[%get3A_41] : memref<256xf32, #tpu.memory_space<vmem>>, vector<256xf32>
    %reshape3A_43 = vector.shape_cast %get3A_42 : vector<256xf32> to vector<1x256xf32>
    %reduce_sum3A = arith.constant dense<0.000000e+00> : vector<256xf32>
    %reduce_sum3A_44 = vector.multi_reduction <add>, %add3A_37, %reduce_sum3A [1] : vector<256x256xf32> to vector<256xf32>
    %broadcast_in_dim3A = vector.shape_cast %reduce_sum3A_44 : vector<256xf32> to vector<256x1xf32>
    %div3A = arith.constant 2.560000e+02 : f32
    %div3A_45 = vector.broadcast %div3A : f32 to vector<256x1xf32>
    %div3A_46 = arith.divf %broadcast_in_dim3A, %div3A_45 : vector<256x1xf32>
    %sub3A = vector.broadcast %div3A_46 : vector<256x1xf32> to vector<256x256xf32>
    %sub3A_47 = arith.subf %add3A_37, %sub3A : vector<256x256xf32>
    %integer_pow3A_48 = arith.mulf %sub3A_47, %sub3A_47 : vector<256x256xf32>
    %reduce_sum3A_49 = arith.constant dense<0.000000e+00> : vector<256xf32>
    %reduce_sum3A_50 = vector.multi_reduction <add>, %integer_pow3A_48, %reduce_sum3A_49 [1] : vector<256x256xf32> to vector<256xf32>
    %broadcast_in_dim3A_51 = vector.shape_cast %reduce_sum3A_50 : vector<256xf32> to vector<256x1xf32>
    %div3A_52 = arith.constant 2.560000e+02 : f32
    %div3A_53 = vector.broadcast %div3A_52 : f32 to vector<256x1xf32>
    %div3A_54 = arith.divf %broadcast_in_dim3A_51, %div3A_53 : vector<256x1xf32>
    %sub3A_55 = vector.broadcast %div3A_46 : vector<256x1xf32> to vector<256x256xf32>
    %sub3A_56 = arith.subf %add3A_37, %sub3A_55 : vector<256x256xf32>
    %add3A_57 = arith.constant 9.99999974E-6 : f32
    %add3A_58 = vector.broadcast %add3A_57 : f32 to vector<256x1xf32>
    %add3A_59 = arith.addf %div3A_54, %add3A_58 : vector<256x1xf32>
    %rsqrt3A = math.rsqrt %add3A_59 : vector<256x1xf32>
    %mul3A_60 = vector.broadcast %rsqrt3A : vector<256x1xf32> to vector<256x256xf32>
    %mul3A_61 = arith.mulf %sub3A_56, %mul3A_60 : vector<256x256xf32>
    %mul3A_62 = vector.broadcast %reshape3A_40 : vector<1x256xf32> to vector<256x256xf32>
    %mul3A_63 = arith.mulf %mul3A_61, %mul3A_62 : vector<256x256xf32>
    %add3A_64 = vector.broadcast %reshape3A_43 : vector<1x256xf32> to vector<256x256xf32>
    %add3A_65 = arith.addf %mul3A_63, %add3A_64 : vector<256x256xf32>
    %integer_pow3A_66 = arith.mulf %add3A_65, %add3A_65 : vector<256x256xf32>
    %integer_pow3A_67 = arith.mulf %add3A_65, %integer_pow3A_66 : vector<256x256xf32>
    %mul3A_68 = arith.constant 4.471500e-02 : f32
    %mul3A_69 = vector.broadcast %mul3A_68 : f32 to vector<256x256xf32>
    %mul3A_70 = arith.mulf %mul3A_69, %integer_pow3A_67 : vector<256x256xf32>
    %add3A_71 = arith.addf %add3A_65, %mul3A_70 : vector<256x256xf32>
    %mul3A_72 = arith.constant 0.797884583 : f32
    %mul3A_73 = vector.broadcast %mul3A_72 : f32 to vector<256x256xf32>
    %mul3A_74 = arith.mulf %mul3A_73, %add3A_71 : vector<256x256xf32>
    %tanh3A_75 = math.tanh %mul3A_74 : vector<256x256xf32>
    %add3A_76 = arith.constant 1.000000e+00 : f32
    %add3A_77 = vector.broadcast %add3A_76 : f32 to vector<256x256xf32>
    %add3A_78 = arith.addf %add3A_77, %tanh3A_75 : vector<256x256xf32>
    %mul3A_79 = arith.constant 5.000000e-01 : f32
    %mul3A_80 = vector.broadcast %mul3A_79 : f32 to vector<256x256xf32>
    %mul3A_81 = arith.mulf %mul3A_80, %add3A_78 : vector<256x256xf32>
    %mul3A_82 = arith.mulf %add3A_65, %mul3A_81 : vector<256x256xf32>
    %get3A_83 = arith.constant 0 : index
    %get3A_84 = arith.constant 0 : index
    %get3A_85 = vector.load %arg11[%get3A_83, %get3A_84] : memref<256x3xf32, #tpu.memory_space<vmem>>, vector<256x3xf32>
    %dot_general3A_86 = arith.constant dense<0.000000e+00> : vector<256x3xf32>
    %dot_general3A_87 = tpu.matmul %mul3A_82, %get3A_85, %dot_general3A_86 {dimension_numbers = #tpu.dot_dimension_numbers<[1], [0], [0], [1], [0, 0, 1, 1], [], []>, transpose_lhs_hint = false} : vector<256x256xf32>, vector<256x3xf32>, vector<256x3xf32> -> vector<256x3xf32>
    %get3A_88 = arith.constant 0 : index
    %get3A_89 = vector.load %arg12[%get3A_88] : memref<3xf32, #tpu.memory_space<vmem>>, vector<3xf32>
    %reshape3A_90 = vector.shape_cast %get3A_89 : vector<3xf32> to vector<1x3xf32>
    %add3A_91 = vector.broadcast %reshape3A_90 : vector<1x3xf32> to vector<256x3xf32>
    %add3A_92 = arith.addf %dot_general3A_87, %add3A_91 : vector<256x3xf32>
    %reduce_max3A = arith.constant dense<0xFF800000> : vector<256xf32>
    %reduce_max3A_93 = vector.multi_reduction <maximumf>, %add3A_92, %reduce_max3A [1] : vector<256x3xf32> to vector<256xf32>
    %broadcast_in_dim3A_94 = vector.shape_cast %reduce_max3A_93 : vector<256xf32> to vector<256x1xf32>
    %sub3A_95 = vector.broadcast %broadcast_in_dim3A_94 : vector<256x1xf32> to vector<256x3xf32>
    %sub3A_96 = arith.subf %add3A_92, %sub3A_95 : vector<256x3xf32>
    %exp3A = math.exp %sub3A_96 : vector<256x3xf32>
    %reduce_sum3A_97 = arith.constant dense<0.000000e+00> : vector<256xf32>
    %reduce_sum3A_98 = vector.multi_reduction <add>, %exp3A, %reduce_sum3A_97 [1] : vector<256x3xf32> to vector<256xf32>
    %broadcast_in_dim3A_99 = vector.shape_cast %reduce_sum3A_98 : vector<256xf32> to vector<256x1xf32>
    %div3A_100 = vector.broadcast %broadcast_in_dim3A_99 : vector<256x1xf32> to vector<256x3xf32>
    %div3A_101 = arith.divf %exp3A, %div3A_100 : vector<256x3xf32>
    %swap3A = arith.constant 0 : index
    %swap3A_102 = arith.constant 0 : index
    %swap3A_103 = vector.load %arg20[%swap3A, %swap3A_102] : memref<256x3xf32, #tpu.memory_space<vmem>>, vector<256x3xf32>
    tpu.vector_store %arg20[%swap3A, %swap3A_102], %div3A_101 {strides = array<i32>} : memref<256x3xf32, #tpu.memory_space<vmem>>, vector<256x3xf32>,
    %slice3A = vector.extract_strided_slice %div3A_101 {offsets = [0, 0], sizes = [256, 1], strides = [1, 1]} : vector<256x3xf32> to vector<256x1xf32>
    %slice3A_104 = vector.extract_strided_slice %div3A_101 {offsets = [0, 1], sizes = [256, 1], strides = [1, 1]} : vector<256x3xf32> to vector<256x1xf32>
    %slice3A_105 = vector.extract_strided_slice %div3A_101 {offsets = [0, 2], sizes = [256, 1], strides = [1, 1]} : vector<256x3xf32> to vector<256x1xf32>
    %le3A = arith.cmpf ole, %slice3A_105, %slice3A : vector<256x1xf32>
    %le3A_106 = arith.cmpf ole, %slice3A_105, %slice3A_104 : vector<256x1xf32>
    %and3A = arith.andi %le3A, %le3A_106 : vector<256x1xi1>
    %not3A = arith.constant dense<true> : vector<256x1xi1>
    %not3A_107 = arith.xori %and3A, %not3A : vector<256x1xi1>
    %le3A_108 = arith.cmpf ole, %slice3A_104, %slice3A : vector<256x1xf32>
    %and3A_109 = arith.andi %not3A_107, %le3A_108 : vector<256x1xi1>
    %lt3A = arith.cmpf olt, %slice3A_104, %slice3A_105 : vector<256x1xf32>
    %and3A_110 = arith.andi %and3A_109, %lt3A : vector<256x1xi1>
    %not3A_111 = arith.constant dense<true> : vector<256x1xi1>
    %not3A_112 = arith.xori %and3A, %not3A_111 : vector<256x1xi1>
    %not3A_113 = arith.constant dense<true> : vector<256x1xi1>
    %not3A_114 = arith.xori %and3A_110, %not3A_113 : vector<256x1xi1>
    %and3A_115 = arith.andi %not3A_112, %not3A_114 : vector<256x1xi1>
    %jit3A = arith.constant 0.000000e+00 : f32
    %broadcast_in_dim3A_116 = vector.broadcast %jit3A : f32 to vector<256x1xf32>
    %select_n3A = arith.select %and3A_115, %broadcast_in_dim3A_116, %slice3A : vector<256x1xi1>, vector<256x1xf32>
    %jit3A_117 = arith.constant 0.000000e+00 : f32
    %broadcast_in_dim3A_118 = vector.broadcast %jit3A_117 : f32 to vector<256x1xf32>
    %select_n3A_119 = arith.select %and3A_110, %broadcast_in_dim3A_118, %slice3A_104 : vector<256x1xi1>, vector<256x1xf32>
    %jit3A_120 = arith.constant 0.000000e+00 : f32
    %broadcast_in_dim3A_121 = vector.broadcast %jit3A_120 : f32 to vector<256x1xf32>
    %select_n3A_122 = arith.select %and3A, %broadcast_in_dim3A_121, %slice3A_105 : vector<256x1xi1>, vector<256x1xf32>
    %add3A_123 = arith.addf %select_n3A, %select_n3A_119 : vector<256x1xf32>
    %add3A_124 = arith.addf %add3A_123, %select_n3A_122 : vector<256x1xf32>
    %div3A_125 = arith.divf %select_n3A, %add3A_124 : vector<256x1xf32>
    %div3A_126 = arith.divf %select_n3A_119, %add3A_124 : vector<256x1xf32>
    %div3A_127 = arith.divf %select_n3A_122, %add3A_124 : vector<256x1xf32>
    %broadcast_in_dim3A_128 = arith.constant 0.000000e+00 : f32
    %broadcast_in_dim3A_129 = vector.broadcast %broadcast_in_dim3A_128 : f32 to vector<256x768xf32>
    %get3A_130 = arith.constant 0 : index
    %get3A_131 = arith.constant 0 : index
    %get3A_132 = arith.constant 0 : index
    %get3A_133 = vector.load %arg1[%get3A_130, %get3A_131, %get3A_132] : memref<3x256x768xf32, #tpu.memory_space<vmem>>, vector<1x256x768xf32>
    %get3A_134 = vector.shape_cast %get3A_133 : vector<1x256x768xf32> to vector<256x768xf32>
    %mul3A_135 = vector.broadcast %get3A_1 : vector<256x1xf32> to vector<256x768xf32>
    %mul3A_136 = arith.mulf %get3A_134, %mul3A_135 : vector<256x768xf32>
    %get3A_137 = arith.constant 0 : index
    %get3A_138 = arith.constant 0 : index
    %get3A_139 = arith.constant 0 : index
    %get3A_140 = vector.load %arg5[%get3A_137, %get3A_138, %get3A_139] : memref<3x768x768xf32, #tpu.memory_space<vmem>>, vector<1x768x768xf32>
    %get3A_141 = vector.shape_cast %get3A_140 : vector<1x768x768xf32> to vector<768x768xf32>
    %dot_general3A_142 = arith.constant dense<0.000000e+00> : vector<256x768xf32>
    %dot_general3A_143 = tpu.matmul %mul3A_136, %get3A_141, %dot_general3A_142 {dimension_numbers = #tpu.dot_dimension_numbers<[1], [0], [0], [1], [0, 0, 1, 1], [], []>, transpose_lhs_hint = false} : vector<256x768xf32>, vector<768x768xf32>, vector<256x768xf32> -> vector<256x768xf32>
    %get3A_144 = arith.constant 0 : index
    %get3A_145 = arith.constant 0 : index
    %get3A_146 = vector.load %arg6[%get3A_144, %get3A_145] : memref<3x768xf32, #tpu.memory_space<vmem>>, vector<1x768xf32>
    %get3A_147 = vector.shape_cast %get3A_146 : vector<1x768xf32> to vector<768xf32>
    %reshape3A_148 = vector.shape_cast %get3A_147 : vector<768xf32> to vector<1x768xf32>
    %add3A_149 = vector.broadcast %reshape3A_148 : vector<1x768xf32> to vector<256x768xf32>
    %add3A_150 = arith.addf %dot_general3A_143, %add3A_149 : vector<256x768xf32>
    %integer_pow3A_151 = arith.mulf %add3A_150, %add3A_150 : vector<256x768xf32>
    %integer_pow3A_152 = arith.mulf %add3A_150, %integer_pow3A_151 : vector<256x768xf32>
    %mul3A_153 = arith.constant 4.471500e-02 : f32
    %mul3A_154 = vector.broadcast %mul3A_153 : f32 to vector<256x768xf32>
    %mul3A_155 = arith.mulf %mul3A_154, %integer_pow3A_152 : vector<256x768xf32>
    %add3A_156 = arith.addf %add3A_150, %mul3A_155 : vector<256x768xf32>
    %mul3A_157 = arith.constant 0.797884583 : f32
    %mul3A_158 = vector.broadcast %mul3A_157 : f32 to vector<256x768xf32>
    %mul3A_159 = arith.mulf %mul3A_158, %add3A_156 : vector<256x768xf32>
    %tanh3A_160 = math.tanh %mul3A_159 : vector<256x768xf32>
    %add3A_161 = arith.constant 1.000000e+00 : f32
    %add3A_162 = vector.broadcast %add3A_161 : f32 to vector<256x768xf32>
    %add3A_163 = arith.addf %add3A_162, %tanh3A_160 : vector<256x768xf32>
    %mul3A_164 = arith.constant 5.000000e-01 : f32
    %mul3A_165 = vector.broadcast %mul3A_164 : f32 to vector<256x768xf32>
    %mul3A_166 = arith.mulf %mul3A_165, %add3A_163 : vector<256x768xf32>
    %mul3A_167 = arith.mulf %add3A_150, %mul3A_166 : vector<256x768xf32>
    %mul3A_168 = vector.broadcast %div3A_125 : vector<256x1xf32> to vector<256x768xf32>
    %mul3A_169 = arith.mulf %mul3A_167, %mul3A_168 : vector<256x768xf32>
    %add3A_170 = arith.addf %broadcast_in_dim3A_129, %mul3A_169 : vector<256x768xf32>
    %get3A_171 = arith.constant 1 : index
    %get3A_172 = arith.constant 0 : index
    %get3A_173 = arith.constant 0 : index
    %get3A_174 = vector.load %arg1[%get3A_171, %get3A_172, %get3A_173] : memref<3x256x768xf32, #tpu.memory_space<vmem>>, vector<1x256x768xf32>
    %get3A_175 = vector.shape_cast %get3A_174 : vector<1x256x768xf32> to vector<256x768xf32>
    %mul3A_176 = vector.broadcast %get3A_1 : vector<256x1xf32> to vector<256x768xf32>
    %mul3A_177 = arith.mulf %get3A_175, %mul3A_176 : vector<256x768xf32>
    %get3A_178 = arith.constant 1 : index
    %get3A_179 = arith.constant 0 : index
    %get3A_180 = arith.constant 0 : index
    %get3A_181 = vector.load %arg5[%get3A_178, %get3A_179, %get3A_180] : memref<3x768x768xf32, #tpu.memory_space<vmem>>, vector<1x768x768xf32>
    %get3A_182 = vector.shape_cast %get3A_181 : vector<1x768x768xf32> to vector<768x768xf32>
    %dot_general3A_183 = arith.constant dense<0.000000e+00> : vector<256x768xf32>
    %dot_general3A_184 = tpu.matmul %mul3A_177, %get3A_182, %dot_general3A_183 {dimension_numbers = #tpu.dot_dimension_numbers<[1], [0], [0], [1], [0, 0, 1, 1], [], []>, transpose_lhs_hint = false} : vector<256x768xf32>, vector<768x768xf32>, vector<256x768xf32> -> vector<256x768xf32>
    %get3A_185 = arith.constant 1 : index
    %get3A_186 = arith.constant 0 : index
    %get3A_187 = vector.load %arg6[%get3A_185, %get3A_186] : memref<3x768xf32, #tpu.memory_space<vmem>>, vector<1x768xf32>
    %get3A_188 = vector.shape_cast %get3A_187 : vector<1x768xf32> to vector<768xf32>
    %reshape3A_189 = vector.shape_cast %get3A_188 : vector<768xf32> to vector<1x768xf32>
    %add3A_190 = vector.broadcast %reshape3A_189 : vector<1x768xf32> to vector<256x768xf32>
    %add3A_191 = arith.addf %dot_general3A_184, %add3A_190 : vector<256x768xf32>
    %integer_pow3A_192 = arith.mulf %add3A_191, %add3A_191 : vector<256x768xf32>
    %integer_pow3A_193 = arith.mulf %add3A_191, %integer_pow3A_192 : vector<256x768xf32>
    %mul3A_194 = arith.constant 4.471500e-02 : f32
    %mul3A_195 = vector.broadcast %mul3A_194 : f32 to vector<256x768xf32>
    %mul3A_196 = arith.mulf %mul3A_195, %integer_pow3A_193 : vector<256x768xf32>
    %add3A_197 = arith.addf %add3A_191, %mul3A_196 : vector<256x768xf32>
    %mul3A_198 = arith.constant 0.797884583 : f32
    %mul3A_199 = vector.broadcast %mul3A_198 : f32 to vector<256x768xf32>
    %mul3A_200 = arith.mulf %mul3A_199, %add3A_197 : vector<256x768xf32>
    %tanh3A_201 = math.tanh %mul3A_200 : vector<256x768xf32>
    %add3A_202 = arith.constant 1.000000e+00 : f32
    %add3A_203 = vector.broadcast %add3A_202 : f32 to vector<256x768xf32>
    %add3A_204 = arith.addf %add3A_203, %tanh3A_201 : vector<256x768xf32>
    %mul3A_205 = arith.constant 5.000000e-01 : f32
    %mul3A_206 = vector.broadcast %mul3A_205 : f32 to vector<256x768xf32>
    %mul3A_207 = arith.mulf %mul3A_206, %add3A_204 : vector<256x768xf32>
    %mul3A_208 = arith.mulf %add3A_191, %mul3A_207 : vector<256x768xf32>
    %mul3A_209 = vector.broadcast %div3A_126 : vector<256x1xf32> to vector<256x768xf32>
    %mul3A_210 = arith.mulf %mul3A_208, %mul3A_209 : vector<256x768xf32>
    %add3A_211 = arith.addf %add3A_170, %mul3A_210 : vector<256x768xf32>
    %get3A_212 = arith.constant 2 : index
    %get3A_213 = arith.constant 0 : index
    %get3A_214 = arith.constant 0 : index
    %get3A_215 = vector.load %arg1[%get3A_212, %get3A_213, %get3A_214] : memref<3x256x768xf32, #tpu.memory_space<vmem>>, vector<1x256x768xf32>
    %get3A_216 = vector.shape_cast %get3A_215 : vector<1x256x768xf32> to vector<256x768xf32>
    %mul3A_217 = vector.broadcast %get3A_1 : vector<256x1xf32> to vector<256x768xf32>
    %mul3A_218 = arith.mulf %get3A_216, %mul3A_217 : vector<256x768xf32>
    %get3A_219 = arith.constant 2 : index
    %get3A_220 = arith.constant 0 : index
    %get3A_221 = arith.constant 0 : index
    %get3A_222 = vector.load %arg5[%get3A_219, %get3A_220, %get3A_221] : memref<3x768x768xf32, #tpu.memory_space<vmem>>, vector<1x768x768xf32>
    %get3A_223 = vector.shape_cast %get3A_222 : vector<1x768x768xf32> to vector<768x768xf32>
    %dot_general3A_224 = arith.constant dense<0.000000e+00> : vector<256x768xf32>
    %dot_general3A_225 = tpu.matmul %mul3A_218, %get3A_223, %dot_general3A_224 {dimension_numbers = #tpu.dot_dimension_numbers<[1], [0], [0], [1], [0, 0, 1, 1], [], []>, transpose_lhs_hint = false} : vector<256x768xf32>, vector<768x768xf32>, vector<256x768xf32> -> vector<256x768xf32>
    %get3A_226 = arith.constant 2 : index
    %get3A_227 = arith.constant 0 : index
    %get3A_228 = vector.load %arg6[%get3A_226, %get3A_227] : memref<3x768xf32, #tpu.memory_space<vmem>>, vector<1x768xf32>
    %get3A_229 = vector.shape_cast %get3A_228 : vector<1x768xf32> to vector<768xf32>
    %reshape3A_230 = vector.shape_cast %get3A_229 : vector<768xf32> to vector<1x768xf32>
    %add3A_231 = vector.broadcast %reshape3A_230 : vector<1x768xf32> to vector<256x768xf32>
    %add3A_232 = arith.addf %dot_general3A_225, %add3A_231 : vector<256x768xf32>
    %integer_pow3A_233 = arith.mulf %add3A_232, %add3A_232 : vector<256x768xf32>
    %integer_pow3A_234 = arith.mulf %add3A_232, %integer_pow3A_233 : vector<256x768xf32>
    %mul3A_235 = arith.constant 4.471500e-02 : f32
    %mul3A_236 = vector.broadcast %mul3A_235 : f32 to vector<256x768xf32>
    %mul3A_237 = arith.mulf %mul3A_236, %integer_pow3A_234 : vector<256x768xf32>
    %add3A_238 = arith.addf %add3A_232, %mul3A_237 : vector<256x768xf32>
    %mul3A_239 = arith.constant 0.797884583 : f32
    %mul3A_240 = vector.broadcast %mul3A_239 : f32 to vector<256x768xf32>
    %mul3A_241 = arith.mulf %mul3A_240, %add3A_238 : vector<256x768xf32>
    %tanh3A_242 = math.tanh %mul3A_241 : vector<256x768xf32>
    %add3A_243 = arith.constant 1.000000e+00 : f32
    %add3A_244 = vector.broadcast %add3A_243 : f32 to vector<256x768xf32>
    %add3A_245 = arith.addf %add3A_244, %tanh3A_242 : vector<256x768xf32>
    %mul3A_246 = arith.constant 5.000000e-01 : f32
    %mul3A_247 = vector.broadcast %mul3A_246 : f32 to vector<256x768xf32>
    %mul3A_248 = arith.mulf %mul3A_247, %add3A_245 : vector<256x768xf32>
    %mul3A_249 = arith.mulf %add3A_232, %mul3A_248 : vector<256x768xf32>
    %mul3A_250 = vector.broadcast %div3A_127 : vector<256x1xf32> to vector<256x768xf32>
    %mul3A_251 = arith.mulf %mul3A_249, %mul3A_250 : vector<256x768xf32>
    %add3A_252 = arith.addf %add3A_211, %mul3A_251 : vector<256x768xf32>
    %get3A_253 = arith.constant 0 : index
    %get3A_254 = arith.constant 0 : index
    %get3A_255 = vector.load %arg13[%get3A_253, %get3A_254] : memref<768x256xf32, #tpu.memory_space<vmem>>, vector<768x256xf32>
    %dot_general3A_256 = arith.constant dense<0.000000e+00> : vector<256x256xf32>
    %dot_general3A_257 = tpu.matmul %add3A_252, %get3A_255, %dot_general3A_256 {dimension_numbers = #tpu.dot_dimension_numbers<[1], [0], [0], [1], [0, 0, 1, 1], [], []>, transpose_lhs_hint = false} : vector<256x768xf32>, vector<768x256xf32>, vector<256x256xf32> -> vector<256x256xf32>
    %get3A_258 = arith.constant 0 : index
    %get3A_259 = vector.load %arg14[%get3A_258] : memref<256xf32, #tpu.memory_space<vmem>>, vector<256xf32>
    %reshape3A_260 = vector.shape_cast %get3A_259 : vector<256xf32> to vector<1x256xf32>
    %add3A_261 = vector.broadcast %reshape3A_260 : vector<1x256xf32> to vector<256x256xf32>
    %add3A_262 = arith.addf %dot_general3A_257, %add3A_261 : vector<256x256xf32>
    %get3A_263 = arith.constant 0 : index
    %get3A_264 = vector.load %arg15[%get3A_263] : memref<256xf32, #tpu.memory_space<vmem>>, vector<256xf32>
    %reshape3A_265 = vector.shape_cast %get3A_264 : vector<256xf32> to vector<1x256xf32>
    %get3A_266 = arith.constant 0 : index
    %get3A_267 = vector.load %arg16[%get3A_266] : memref<256xf32, #tpu.memory_space<vmem>>, vector<256xf32>
    %reshape3A_268 = vector.shape_cast %get3A_267 : vector<256xf32> to vector<1x256xf32>
    %reduce_sum3A_269 = arith.constant dense<0.000000e+00> : vector<256xf32>
    %reduce_sum3A_270 = vector.multi_reduction <add>, %add3A_262, %reduce_sum3A_269 [1] : vector<256x256xf32> to vector<256xf32>
    %broadcast_in_dim3A_271 = vector.shape_cast %reduce_sum3A_270 : vector<256xf32> to vector<256x1xf32>
    %div3A_272 = arith.constant 2.560000e+02 : f32
    %div3A_273 = vector.broadcast %div3A_272 : f32 to vector<256x1xf32>
    %div3A_274 = arith.divf %broadcast_in_dim3A_271, %div3A_273 : vector<256x1xf32>
    %sub3A_275 = vector.broadcast %div3A_274 : vector<256x1xf32> to vector<256x256xf32>
    %sub3A_276 = arith.subf %add3A_262, %sub3A_275 : vector<256x256xf32>
    %integer_pow3A_277 = arith.mulf %sub3A_276, %sub3A_276 : vector<256x256xf32>
    %reduce_sum3A_278 = arith.constant dense<0.000000e+00> : vector<256xf32>
    %reduce_sum3A_279 = vector.multi_reduction <add>, %integer_pow3A_277, %reduce_sum3A_278 [1] : vector<256x256xf32> to vector<256xf32>
    %broadcast_in_dim3A_280 = vector.shape_cast %reduce_sum3A_279 : vector<256xf32> to vector<256x1xf32>
    %div3A_281 = arith.constant 2.560000e+02 : f32
    %div3A_282 = vector.broadcast %div3A_281 : f32 to vector<256x1xf32>
    %div3A_283 = arith.divf %broadcast_in_dim3A_280, %div3A_282 : vector<256x1xf32>
    %sub3A_284 = vector.broadcast %div3A_274 : vector<256x1xf32> to vector<256x256xf32>
    %sub3A_285 = arith.subf %add3A_262, %sub3A_284 : vector<256x256xf32>
    %add3A_286 = arith.constant 9.99999974E-6 : f32
    %add3A_287 = vector.broadcast %add3A_286 : f32 to vector<256x1xf32>
    %add3A_288 = arith.addf %div3A_283, %add3A_287 : vector<256x1xf32>
    %rsqrt3A_289 = math.rsqrt %add3A_288 : vector<256x1xf32>
    %mul3A_290 = vector.broadcast %rsqrt3A_289 : vector<256x1xf32> to vector<256x256xf32>
    %mul3A_291 = arith.mulf %sub3A_285, %mul3A_290 : vector<256x256xf32>
    %mul3A_292 = vector.broadcast %reshape3A_265 : vector<1x256xf32> to vector<256x256xf32>
    %mul3A_293 = arith.mulf %mul3A_291, %mul3A_292 : vector<256x256xf32>
    %add3A_294 = vector.broadcast %reshape3A_268 : vector<1x256xf32> to vector<256x256xf32>
    %add3A_295 = arith.addf %mul3A_293, %add3A_294 : vector<256x256xf32>
    %integer_pow3A_296 = arith.mulf %add3A_295, %add3A_295 : vector<256x256xf32>
    %integer_pow3A_297 = arith.mulf %add3A_295, %integer_pow3A_296 : vector<256x256xf32>
    %mul3A_298 = arith.constant 4.471500e-02 : f32
    %mul3A_299 = vector.broadcast %mul3A_298 : f32 to vector<256x256xf32>
    %mul3A_300 = arith.mulf %mul3A_299, %integer_pow3A_297 : vector<256x256xf32>
    %add3A_301 = arith.addf %add3A_295, %mul3A_300 : vector<256x256xf32>
    %mul3A_302 = arith.constant 0.797884583 : f32
    %mul3A_303 = vector.broadcast %mul3A_302 : f32 to vector<256x256xf32>
    %mul3A_304 = arith.mulf %mul3A_303, %add3A_301 : vector<256x256xf32>
    %tanh3A_305 = math.tanh %mul3A_304 : vector<256x256xf32>
    %add3A_306 = arith.constant 1.000000e+00 : f32
    %add3A_307 = vector.broadcast %add3A_306 : f32 to vector<256x256xf32>
    %add3A_308 = arith.addf %add3A_307, %tanh3A_305 : vector<256x256xf32>
    %mul3A_309 = arith.constant 5.000000e-01 : f32
    %mul3A_310 = vector.broadcast %mul3A_309 : f32 to vector<256x256xf32>
    %mul3A_311 = arith.mulf %mul3A_310, %add3A_308 : vector<256x256xf32>
    %mul3A_312 = arith.mulf %add3A_295, %mul3A_311 : vector<256x256xf32>
    %get3A_313 = arith.constant 0 : index
    %get3A_314 = arith.constant 0 : index
    %get3A_315 = vector.load %arg17[%get3A_313, %get3A_314] : memref<256x3xf32, #tpu.memory_space<vmem>>, vector<256x3xf32>
    %dot_general3A_316 = arith.constant dense<0.000000e+00> : vector<256x3xf32>
    %dot_general3A_317 = tpu.matmul %mul3A_312, %get3A_315, %dot_general3A_316 {dimension_numbers = #tpu.dot_dimension_numbers<[1], [0], [0], [1], [0, 0, 1, 1], [], []>, transpose_lhs_hint = false} : vector<256x256xf32>, vector<256x3xf32>, vector<256x3xf32> -> vector<256x3xf32>
    %get3A_318 = arith.constant 0 : index
    %get3A_319 = vector.load %arg18[%get3A_318] : memref<3xf32, #tpu.memory_space<vmem>>, vector<3xf32>
    %reshape3A_320 = vector.shape_cast %get3A_319 : vector<3xf32> to vector<1x3xf32>
    %add3A_321 = vector.broadcast %reshape3A_320 : vector<1x3xf32> to vector<256x3xf32>
    %add3A_322 = arith.addf %dot_general3A_317, %add3A_321 : vector<256x3xf32>
    %swap3A_323 = arith.constant 0 : index
    %swap3A_324 = arith.constant 0 : index
    %swap3A_325 = vector.load %arg19[%swap3A_323, %swap3A_324] : memref<256x3xf32, #tpu.memory_space<vmem>>, vector<256x3xf32>
    tpu.vector_store %arg19[%swap3A_323, %swap3A_324], %add3A_322 {strides = array<i32>} : memref<256x3xf32, #tpu.memory_space<vmem>>, vector<256x3xf32>,
    return
  }
}

</mosaic_0001>

<sc_bundles>
// kernel: kernel.4.cloned.1.call-start
scs
__scs_entry_jumppad:
0x0: {  	(pc) =	sbr.rel $0x88, $3  }
0x1: {  	(tag) =	ssettag $0x0;
	lr =	simm.s32 $0x1  }
0x2: {  	[smem:$0x3F8D] =	sst lr;
	_ =	strace $0xD0000000  }
0x3: {  	_ = 	snop  }
0x4: {  	_ = 	snop  }
0x5: {  	_ = 	snop  }
0x6: {  	_ = 	snop  }
0x7: {  	_ = 	snop  }
__scs_overlays_trampoline_lowered:
0x8: {  	[smem:$0x3F9C] =	sst s0  }
0x9: {  	[smem:$0x3F9D] =	sst s1  }
0xa: {  	[smem:$0x3F9E] =	sst s2  }
0xb: {  	[smem:$0x3F9F] =	sst s3  }
0xc: {  	[smem:$0x3FA0] =	sst s4  }
0xd: {  	[smem:$0x3FA1] =	sst s5  }
0xe: {  	[smem:$0x3FA2] =	sst s6  }
0xf: {  	[smem:$0x3FA3] =	sst s7  }
0x10: {  	[smem:$0x3FA4] =	sst s8  }
0x11: {  	[smem:$0x3FA5] =	sst s9;
	s0 =	simm.s32 @!p0 $0x0  }
0x12: {  	s1 =	sld [smem:$0x3F8B];
	s0 =	simm.s32 @p0 $0x1  }
0x13: {  	[smem:$0x3FA6] =	sst s0;
	s0 =	simm.s32 @!p1 $0x0  }
0x14: {  	s2 =	sld [smem:$0x3F8A];
	s0 =	simm.s32 @p1 $0x1  }
0x15: {  	[smem:$0x3FA7] =	sst s0;
	s0 =	simm.s32 @!p2 $0x0  }
0x16: {  	s3 =	sld [smem:$0x3FDB];
	s0 =	simm.s32 @p2 $0x1  }
0x17: {  	s4 =	simm.s32 $0x1BF5;
	[smem:$0x3FA9] =	sst s0  }
0x18: {  	s0 =	sld [smem:$0x3F8C];
	_ =	swait.ge [sflag:s4], $0x0  }
0x19: {  	s7 =	sld [smem:$0x3F8D]  }
0x1a: {  	s8 =	sadd.s32 $0xFFFFE003, lr  }
0x1b: {  	s9 =	sadd.s32 $0xFFFFFEF7, lr;
	s5 =	simm.s32 $0xFFFFFFFF;
	p2 =	slt.u32 s8, $0xFFFFF086  }
0x1c: {  	p1 =	slt.u32 s9, $0xF7A;
	s5 =	simm.s32 @!p2 $0x0  }
0x1d: {  	s5 =	simm.s32 @p1 $0x1;
	p0 =	seq.s32 s7, s2  }
0x1e: {  	s7 =	smul.u32 @!p0 $0xF7A, s2;
	p2 =	seq.s32 @!p0 s5, $0x0  }
0x1f: {  	s9 =	smul.u32 $0xF7A, s1;
	s8 =	simm.s32 @!p0 $0x1BF5;
	p2 =	por !p2, p0  }
0x20: {  	[sflag:s8] =	ssyncset.s32 @!p0 $0xFFFFF086;
	s6 =	sadd.s32 @!p0 s3, s7;
	s7 =	simm.s32 @!p0 $0x108  }
0x21: {  	s3 =	sadd.s32 s3, s9;
	s6 =	sadd.s32 @!p0 $0x88, s6;
	s7 =	simm.s32 @p2 $0x1082  }
0x22: {  	[simem:s7], [sflag:s8] =	dma.local @!p0 [hbm:s6], $0xF7A  }
0x23: {  	s9 =	sor.u32 $0xD0000000, s2;
	s6 =	simm.s32 $0x108;
	_ =	swait.ge @!p0 [sflag:s8], $0x0  }
0x24: {  	s3 =	sadd.s32 $0x88, s3;
	s6 =	simm.s32 @!p1 $0x1082;
	[sflag:s4] =	ssyncset.s32 $0xFFFFF086  }
0x25: {  	[simem:s6], [sflag:s4] =	dma.local [hbm:s3], $0xF7A  }
0x26: {  	[smem:$0x3F8D] =	sst s1;
	(tag) =	ssettag s2;
	_ =	strace s9  }
0x27: {  	s1 =	sld [smem:$0x3F9D]  }
0x28: {  	s2 =	sld [smem:$0x3F9E]  }
0x29: {  	s4 =	sld [smem:$0x3FA0]  }
0x2a: {  	p0 =	seq.s32 s5, $0x0;
	s5 =	sld [smem:$0x3FA1]  }
0x2b: {  	s6 =	sld [smem:$0x3FA2]  }
0x2c: {  	s7 =	sld [smem:$0x3FA3]  }
0x2d: {  	s3 =	simm.s32 $0x108;
	s8 =	sld [smem:$0x3FA4]  }
0x2e: {  	s3 =	simm.s32 @!p0 $0x1082;
	s9 =	sld [smem:$0x3FA5]  }
0x2f: {  	lr =	sadd.s32 s0, s3;
	s0 =	sld [smem:$0x3F9C]  }
0x30: {  	s3 =	sld [smem:$0x3F9F]  }
0x31: {  	[smem:$0x3FA8] =	sst s10  }
0x32: {  	s10 =	sld [smem:$0x3FA6];
	_ =	sdelay $0x3  }
0x33: {  	p0 =	seq.s32 s10, $0x1;
	s10 =	sld [smem:$0x3FA8];
	_ =	sdelay $0x3  }
0x34: {  	[smem:$0x3FA8] =	sst s10  }
0x35: {  	s10 =	sld [smem:$0x3FA7];
	_ =	sdelay $0x3  }
0x36: {  	p1 =	seq.s32 s10, $0x1;
	s10 =	sld [smem:$0x3FA8];
	_ =	sdelay $0x3  }
0x37: {  	[smem:$0x3FA8] =	sst s10  }
0x38: {  	s10 =	sld [smem:$0x3FA9]  }
0x39: {  	_ = 	snop;
	(pc) =	sbr.ind lr, $3  }
0x3a: {  	_ = 	snop  }
0x3b: {  	_ = 	snop  }
0x3c: {  	p2 =	seq.s32 s10, $0x1;
	s10 =	sld [smem:$0x3FA8]  }
0x3d: {  	_ =	shalt  }
0x3e: {  	_ =	shalt  }
0x3f: {  	_ =	shalt  }
0x40: {  	_ =	shalt  }
0x41: {  	_ =	shalt  }
0x42: {  	_ =	shalt  }
0x43: {  	_ =	shalt  }
0x44: {  	_ =	shalt  }
0x45: {  	_ =	shalt  }
0x46: {  	_ =	shalt  }
0x47: {  	_ =	shalt  }
0x48: {  	_ =	shalt  }
0x49: {  	_ =	shalt  }
0x4a: {  	_ =	shalt  }
0x4b: {  	_ =	shalt  }
0x4c: {  	_ =	shalt  }
0x4d: {  	_ =	shalt  }
0x4e: {  	_ =	shalt  }
0x4f: {  	_ =	shalt  }
0x50: {  	_ =	shalt  }
0x51: {  	_ =	shalt  }
0x52: {  	_ =	shalt  }
0x53: {  	_ =	shalt  }
0x54: {  	_ =	shalt  }
0x55: {  	_ =	shalt  }
0x56: {  	_ =	shalt  }
0x57: {  	_ =	shalt  }
0x58: {  	_ =	shalt  }
0x59: {  	_ =	shalt  }
0x5a: {  	_ =	shalt  }
0x5b: {  	_ =	shalt  }
0x5c: {  	_ =	shalt  }
0x5d: {  	_ =	shalt  }
0x5e: {  	_ =	shalt  }
0x5f: {  	_ =	shalt  }
0x60: {  	_ =	shalt  }
0x61: {  	_ =	shalt  }
0x62: {  	_ =	shalt  }
0x63: {  	_ =	shalt  }
0x64: {  	_ =	shalt  }
0x65: {  	_ =	shalt  }
0x66: {  	_ =	shalt  }
0x67: {  	_ =	shalt  }
0x68: {  	_ =	shalt  }
0x69: {  	_ =	shalt  }
0x6a: {  	_ =	shalt  }
0x6b: {  	_ =	shalt  }
0x6c: {  	_ =	shalt  }
0x6d: {  	_ =	shalt  }
0x6e: {  	_ =	shalt  }
0x6f: {  	_ =	shalt  }
0x70: {  	_ =	shalt  }
0x71: {  	_ =	shalt  }
0x72: {  	_ =	shalt  }
0x73: {  	_ =	shalt  }
0x74: {  	_ =	shalt  }
0x75: {  	_ =	shalt  }
0x76: {  	_ =	shalt  }
0x77: {  	_ =	shalt  }
0x78: {  	_ =	shalt  }
0x79: {  	_ =	shalt  }
0x7a: {  	_ =	shalt  }
0x7b: {  	_ =	shalt  }
0x7c: {  	_ =	shalt  }
0x7d: {  	_ =	shalt  }
0x7e: {  	_ =	shalt  }
0x7f: {  	_ =	shalt  }
0x80: {  	_ =	shalt  }
0x81: {  	_ =	shalt  }
0x82: {  	_ =	shalt  }
0x83: {  	_ =	shalt  }
0x84: {  	_ =	shalt  }
0x85: {  	_ =	shalt  }
0x86: {  	_ =	shalt  }
0x87: {  	_ =	shalt  }
.Lfunc_end0:
.L_simem_size_0:
called_computation_lowered:
.L_overlay_start_0:
0x88: {  	s2 =	sld [smem:$0x3FD9]  }
0x89: {  	s3 =	sld [smem:$0x3FFE];
	_ =	sdelay $0x1  }
0x8a: {  	s1 =	srdreg.scid  }
0x8b: {  	s0 =	sand.u32 $0x1, s1  }
0x8c: {  	s14 =	sshll.u32 s0, $0xA;
	s2 =	sadd.s32 s3, s2  }
0x8d: {  	s2 =	sadd.s32 s2, s14  }
0x8e: {  	[smem:$0x3FB4] =	sst s2  }
0x8f: {  	_ = 	snop  }
0x90: {  	s2 =	sld [smem:$0x3FD0];
	_ =	sdelay $0x1  }
0x91: {  	s15 =	sld [smem:$0x3FC7]  }
0x92: {  	s5 =	simm.s32 $0xA;
	s6 =	simm.s32 $0x10;
	s4 =	sld [smem:$0x3FC4]  }
0x93: {  	[smem:s6], [sflag:s5] =	dma.local [hbm:s2], $0x1  }
0x94: {  	_ =	swait.eq [sflag:s5], $0x1  }
0x95: {  	[sflag:s5] =	ssyncset.done $0x0  }
0x96: {  	[sflag:s5] =	ssyncadd.s32 $0xFFFFFFFF  }
0x97: {  	s16 =	sld [smem:$0x11];
	(tm) =	ssettm $0x1  }
0x98: {  	s17 =	sld [smem:$0x3FFB];
	_ =	sdelay $0x3  }
0x99: {  	_ =	strace s17  }
0x9a: {  	s5 =	sld [smem:$0x3FFC];
	_ =	sdelay $0x3  }
0x9b: {  	_ =	strace s5  }
0x9c: {  	s5 =	sld [smem:$0x3FFD];
	_ =	sdelay $0x3  }
0x9d: {  	_ =	strace s5  }
0x9e: {  	_ =	strace $0x8FFFFFFF  }
0x9f: {  	s18 =	sld [smem:$0x3FDB];
	_ =	sdelay $0x1  }
0xa0: {  	s19 =	simm.s32 $_scs_section_size  }
0xa1: {  	s7 =	simm.s32 $_size__tile_overlayer_lowered;
	s8 =	simm.s32 $_tile_overlayer_lowered  }
0xa2: {  	s22 =	simm.s32 $0x1BFF;
	s21 =	sshll.u32 s8, $0x1;
	s5 =	sadd.s32 s19, s18  }
0xa3: {  	s9 =	simm.s32 $0x0;
	s20 =	sshll.u32 s7, $0x1;
	s7 =	sadd.s32 s21, s5  }
0xa4: {  	[timem:s9], [sflag:s22] =	dma.local [hbm:s7], s20  }
0xa5: {  	_ =	swait.ge [sflag:s22], s20  }
0xa6: {  	s6 =	ssub.s32 $0x0, s20;
	[sflag:s22] =	ssyncset.done $0x0  }
0xa7: {  	[sflag:s22] =	ssyncadd.s32 s6;
	_ =	sdelay $0x1  }
0xa8: {  	s23 =	simm.s32 $0x1B8B  }
0xa9: {  	_ =	swait.ge [sflag:s23], $0x1  }
0xaa: {  	[sflag:s23] =	ssyncset.done $0x0  }
0xab: {  	s25 =	simm.s32 $0x1B8E;
	s24 =	sld [smem:$0x3FFE];
	[sflag:s23] =	ssyncadd.s32 $0xFFFFFFFF  }
0xac: {  	s26 =	simm.s32 $execute0_lowered;
	[smem:$0x3FD2] =	sst s25  }
0xad: {  	s7 =	sshll.u32 s26, $0x1;
	_ =	strace $0x80000046;
	[dreg:$0x1] =	wrdreg $0xFFFFFFFF  }
0xae: {  	s28 =	simm.s32 $_size_execute0_lowered;
	s5 =	sadd.s32 s5, s7;
	[dreg:$0x0] =	wrdreg $0x0  }
0xaf: {  	s7 =	sshll.u32 s28, $0x1;
	[dreg:$0x2] =	wrdreg s5  }
0xb0: {  	[dreg:$0x3] =	wrdreg s7  }
0xb1: {  	[dreg:$0x4] =	wrdreg $0xC0  }
0xb2: {  	_ =	task [dreg:s9], $0x5FFFF  }
0xb3: {  	[dreg:$0x1] =	wrdreg $0xFFFFFFFF  }
0xb4: {  	[dreg:$0x0] =	wrdreg $0x60  }
0xb5: {  	[dreg:$0x2] =	wrdreg s16  }
0xb6: {  	[dreg:$0x3] =	wrdreg s15  }
0xb7: {  	[dreg:$0x4] =	wrdreg s4  }
0xb8: {  	[dreg:$0x5] =	wrdreg s24  }
0xb9: {  	[dreg:$0x6] =	wrdreg $0x9  }
0xba: {  	_ =	task.clear_ibuf [dreg:s9], $0x7FFFF;
	_ =	strace $0x90000046  }
0xbb: {  	s29 =	simm.s32 $0x9;
	_ =	strace $0x80000048  }
0xbc: {  	_ =	swait.ge [sflag:s29], $0x1  }
0xbd: {  	[sflag:s29] =	ssyncadd.s32 $0xFFFFFFFF  }
0xbe: {  	_ =	strace $0x90000048  }
0xbf: {  	_ =	sfence  }
0xc0: {  	s30 =	sld [smem:$0x0];
	_ =	sdelay $0x2  }
0xc1: {  	s31 =	sshll.u32 s1, $0xD;
	s1 =	sshrl.u32 s1, $0x2  }
0xc2: {  	s3 =	sand.u32 $0x4000, s31;
	s1 =	sadd.s32 s1, s30  }
0xc3: {  	s0 =	sor.u32 s3, s0;
	s1 =	sshll.u32 s1, $0x11  }
0xc4: {  	s0 =	sor.u32 s1, s0  }
0xc5: {  	s0 =	sadd.s32 $0x8F2B, s0  }
0xc6: {  	[sflag:s0] =	ssyncadd.remote.s32 $0x1  }
0xc7: {  	_ =	sfence.sel $0xFFFF  }
0xc8: {  	[dreg:$0x0] =	wrdreg $0xFFFFFFFF;
	(pc) =	sbr.abs _section_cstart, $3  }
0xc9: {  	[dreg:$0x1] =	wrdreg $0xFFFFFFFF  }
0xca: {  	_ =	task.clear_ibuf [dreg:s9], $0x2FFFF;
	_ =	strace $0x9FFFFFFF  }
0xcb: {  	(tm) =	ssettm $0x7FFFFFFF  }
tec
execute0_lowered:
.L_overlay_start_1:
0x0: {  	(tag) =	ssettag $0x1  }
0x1: {  	s5 =	rddreg [dreg:$0x0]  }
0x2: {  	s2 =	rddreg [dreg:$0x1]  }
0x3: {  	s3 =	rddreg [dreg:$0x2]  }
0x4: {  	s6 =	rddreg [dreg:$0x3];
	s1 =	stileid.u32  }
0x5: {  	s0 =	rddreg [dreg:$0x4];
	s4 =	simm.s32 $0x0;
	s7 =	srdreg.scid  }
0x6: {  	s26 =	simm.s32 $0x3880;
	s29 =	simm.s32 $0x4080;
	s30 =	simm.s32 $0x4880  }
0x7: {  	s16 =	simm.s32 $0x5080;
	s31 =	simm.s32 $0x5880;
	s17 =	simm.s32 $0x80  }
0x8: {  	s18 =	simm.s32 $0x3080;
	s12 =	smul.u32 $0x600, s1;
	[smem:$0x7FF] =	sst s4  }
0x9: {  	s7 =	sand.u32 $0x1, s7;
	_ =	strace $0x80000047;
	[dreg:$0x7] =	wrdreg s26  }
0xa: {  	s13 =	sadd.s32 $0x2C00, s6;
	s9 =	sshll.u32 s1, $0x1;
	[dreg:$0x9] =	wrdreg s29  }
0xb: {  	s25 =	smul.u32 $0x3000, s1;
	s24 =	ssub.s32 $0x2, s7;
	[dreg:$0xa] =	wrdreg s30  }
0xc: {  	s5 =	sadd.s32 s5, s9;
	p0 =	seq.s32 s7, $0x1;
	[dreg:$0xb] =	wrdreg s16  }
0xd: {  	s7 =	sadd.s32 $0x2CB800, s3;
	[dreg:$0xc] =	wrdreg s31;
	s16 =	simm.s32 $0x1  }
0xe: {  	[dreg:$0xd] =	wrdreg s17;
	s17 =	simm.s32 $0x2;
	s8 =	sadd.s32 s12, s6  }
0xf: {  	s10 =	sshrl.u32 s24, $0x1;
	[dreg:$0x5] =	wrdreg s5;
	s5 =	sadd.s32 $0x100, s2  }
0x10: {  	s6 =	sadd.s32 $0x200, s2;
	s9 =	sshrl.u32 s25, $0x3;
	s10 =	ssub.s32 s24, s10  }
0x11: {  	s11 =	sadd.s32 $0x14C00, s8;
	s14 =	sadd.s32 s13, s9;
	s8 =	sadd.s32 $0x597000, s3  }
0x12: {  	s15 =	sadd.s32 $0xC000, s9;
	s14 =	sadd.s32 $0x6000, s14;
	s9 =	smax.u32 s10, $0x1  }
0x13: {  	s10 =	simm.s32 $0x3;
	s12 =	smov.u32 @p0 s15;
	s11 =	smov.u32 @p0 s14  }
0x14: {  	v0 =	vlaneseq.u32;
	s28 =	sadd.s32 s13, s12;
	s12 =	sadd.s32 @p0 $0x200, s7;
	s13 =	smov.u32 s3  }
0x15: {  	vm2 =	vmmov $0xffff;
	v1 =	vshrl.u32 v0, $0x3;
	v0 =	vor.u32 $0x8, v0;
	[dreg:$0x6] =	wrdreg s11;
	s11 =	sadd.s32 @p0 $0x100, s7;
	s13 =	smov.u32 @p0 s8  }
0x16: {  	v1 =	vmul.u32 $0x8, v1;
	vm0 =	vmmov @p0 $0xffff;
	vm1 =	vmmov @!p0 $0xffff;
	[dreg:$0x8] =	wrdreg s28;
	s14 =	sadd.s32 $0x100, s13;
	s15 =	sadd.s32 $0x200, s13  }
.LBB2_1:
0x17: {  	s19 =	rddreg [dreg:$0x5]  }
0x18: {  	[tilespmem:s4], [sflag:$0x3] =	stream.linear.gather [hbm4b:s19+s4], $0x10, $0x38;
	[tilespmem:$0x6080] =	vst v63  }
0x19: {  	_ =	swait.ge [sflag:s10], $0x10  }
0x1a: {  	[sflag:s10] =	ssyncset.done $0x0  }
0x1b: {  	[sflag:s10] =	ssyncadd.s32 $0xFFFFFFF0  }
0x1c: {  	v2 =	vld @p0 [tilespmem:$0x0];
	_ =	sdelay $0x4  }
0x1d: {  	v3 =	vshrl.u32 @p0 v2, $0x3  }
0x1e: {  	v3 =	vmul.u32 @p0 $0x30, v3  }
0x1f: {  	v4 =	vlaneseq.u32 @p0;
	v2 =	vand.u32 @p0 $0x7, v2  }
0x20: {  	v5 =	vshrl.u32 @p0 v4, $0x3;
	v2 =	vor.u32 @p0 v2, v3;
	v3 =	vand.u32 @p0 $0x7, v4  }
0x21: {  	v5 =	vmul.u32 @p0 $0x8, v5;
	v6 =	vperm.xlane @p0 v2, v3;
	_ =	sdelay $0x1  }
0x22: {  	v6 =	vadd.s32 @p0 v5, v6;
	_ =	sdelay $0x2  }
0x23: {  	v4 =	vor.u32 @p0 $0x8, v4  }
0x24: {  	s20 =	simm.s32 @p0 $0x80;
	s19 =	simm.s32 @p0 $0x0;
	v2 =	vperm.xlane @p0 v2, v4  }
0x25: {  	[tilespmem:s20], [sflag:$0x1] =	stream.indirect_vreg.gather @p0 [hbm4b:s7+s19], $0x80, v6, vm0, $0xb8;
	[tilespmem:$0x6080] =	vst v63  }
0x26: {  	v2 =	vadd.s32 @p0 v5, v2;
	s20 =	simm.s32 @p0 $0x880  }
0x27: {  	[tilespmem:s20], [sflag:$0x1] =	stream.indirect_vreg.gather @p0 [hbm4b:s11+s19], $0x80, v6, vm0, $0xb8;
	[tilespmem:$0x6080] =	vst v63  }
0x28: {  	s20 =	simm.s32 @p0 $0x1080  }
0x29: {  	[tilespmem:s20], [sflag:$0x1] =	stream.indirect_vreg.gather @p0 [hbm4b:s12+s19], $0x80, v6, vm0, $0xb8;
	[tilespmem:$0x6080] =	vst v63  }
0x2a: {  	s20 =	simm.s32 @p0 $0x1880  }
0x2b: {  	[tilespmem:s20], [sflag:$0x1] =	stream.indirect_vreg.gather @p0 [hbm4b:s7+s19], $0x80, v2, vm0, $0xb8;
	[tilespmem:$0x6080] =	vst v63  }
0x2c: {  	s20 =	simm.s32 @p0 $0x2080  }
0x2d: {  	[tilespmem:s20], [sflag:$0x1] =	stream.indirect_vreg.gather @p0 [hbm4b:s11+s19], $0x80, v2, vm0, $0xb8;
	[tilespmem:$0x6080] =	vst v63  }
0x2e: {  	s20 =	simm.s32 @p0 $0x2880  }
0x2f: {  	[tilespmem:s20], [sflag:$0x1] =	stream.indirect_vreg.gather @p0 [hbm4b:s12+s19], $0x80, v2, vm0, $0xb8;
	[tilespmem:$0x6080] =	vst v63  }
0x30: {  	v2 =	vld @p0 [tilespmem:$0x0];
	_ =	sdelay $0x4  }
0x31: {  	v4 =	vshrl.u32 @p0 v2, $0x3  }
0x32: {  	v4 =	vmul.u32 @p0 $0x30, v4  }
0x33: {  	v2 =	vand.u32 @p0 $0x7, v2  }
0x34: {  	v2 =	vor.u32 @p0 v2, v4  }
0x35: {  	v3 =	vperm.xlane @p0 v2, v3;
	_ =	sdelay $0x1  }
0x36: {  	v3 =	vadd.s32 @p0 v5, v3;
	_ =	sdelay $0x3  }
0x37: {  	s20 =	simm.s32 @p0 $0x3080  }
0x38: {  	[tilespmem:s20], [sflag:$0x2] =	stream.indirect_vreg.gather @p0 [hbm4b:s8+s19], $0x80, v3, vm0, $0xb8;
	[tilespmem:$0x6080] =	vst v63  }
0x39: {  	v4 =	vld @!p0 [tilespmem:$0x0];
	_ =	sdelay $0x4  }
0x3a: {  	v5 =	vshrl.u32 @!p0 v4, $0x3  }
0x3b: {  	v5 =	vmul.u32 @!p0 $0x30, v5  }
0x3c: {  	v6 =	vlaneseq.u32 @!p0;
	v4 =	vand.u32 @!p0 $0x7, v4  }
0x3d: {  	v7 =	vshrl.u32 @!p0 v6, $0x3;
	v4 =	vor.u32 @!p0 v4, v5;
	v5 =	vand.u32 @!p0 $0x7, v6  }
0x3e: {  	v7 =	vmul.u32 @!p0 $0x8, v7;
	v8 =	vperm.xlane @!p0 v4, v5;
	_ =	sdelay $0x1  }
0x3f: {  	v8 =	vadd.s32 @!p0 v7, v8;
	_ =	sdelay $0x2  }
0x40: {  	v6 =	vor.u32 @!p0 $0x8, v6  }
0x41: {  	s19 =	simm.s32 @!p0 $0x0;
	s20 =	simm.s32 @!p0 $0x80;
	v4 =	vperm.xlane @!p0 v4, v6  }
0x42: {  	[tilespmem:s20], [sflag:$0x1] =	stream.indirect_vreg.gather @!p0 [hbm4b:s2+s19], $0x80, v8, vm1, $0xb8;
	[tilespmem:$0x6080] =	vst v63  }
0x43: {  	v4 =	vadd.s32 @!p0 v7, v4;
	s20 =	simm.s32 @!p0 $0x880  }
0x44: {  	[tilespmem:s20], [sflag:$0x1] =	stream.indirect_vreg.gather @!p0 [hbm4b:s5+s19], $0x80, v8, vm1, $0xb8;
	[tilespmem:$0x6080] =	vst v63  }
0x45: {  	s20 =	simm.s32 @!p0 $0x1080  }
0x46: {  	[tilespmem:s20], [sflag:$0x1] =	stream.indirect_vreg.gather @!p0 [hbm4b:s6+s19], $0x80, v8, vm1, $0xb8;
	[tilespmem:$0x6080] =	vst v63  }
0x47: {  	s20 =	simm.s32 @!p0 $0x1880  }
0x48: {  	[tilespmem:s20], [sflag:$0x1] =	stream.indirect_vreg.gather @!p0 [hbm4b:s2+s19], $0x80, v4, vm1, $0xb8;
	[tilespmem:$0x6080] =	vst v63  }
0x49: {  	s20 =	simm.s32 @!p0 $0x2080  }
0x4a: {  	[tilespmem:s20], [sflag:$0x1] =	stream.indirect_vreg.gather @!p0 [hbm4b:s5+s19], $0x80, v4, vm1, $0xb8;
	[tilespmem:$0x6080] =	vst v63  }
0x4b: {  	s20 =	simm.s32 @!p0 $0x2880  }
0x4c: {  	[tilespmem:s20], [sflag:$0x1] =	stream.indirect_vreg.gather @!p0 [hbm4b:s6+s19], $0x80, v4, vm1, $0xb8;
	[tilespmem:$0x6080] =	vst v63  }
0x4d: {  	v4 =	vld @!p0 [tilespmem:$0x0];
	_ =	sdelay $0x4  }
0x4e: {  	v6 =	vshrl.u32 @!p0 v4, $0x3  }
0x4f: {  	v6 =	vmul.u32 @!p0 $0x30, v6  }
0x50: {  	v4 =	vand.u32 @!p0 $0x7, v4  }
0x51: {  	v4 =	vor.u32 @!p0 v4, v6  }
0x52: {  	v5 =	vperm.xlane @!p0 v4, v5;
	_ =	sdelay $0x1  }
0x53: {  	v5 =	vadd.s32 @!p0 v7, v5;
	_ =	sdelay $0x1  }
0x54: {  	v3 =	vpsel p0, v3, v5  }
0x55: {  	v2 =	vpsel p0, v2, v4  }
0x56: {  	s20 =	simm.s32 @!p0 $0x3080;
	v2 =	vperm.xlane v2, v0  }
0x57: {  	[tilespmem:s20], [sflag:$0x2] =	stream.indirect_vreg.gather @!p0 [hbm4b:s3+s19], $0x80, v5, vm1, $0xb8;
	[tilespmem:$0x6080] =	vst v63  }
0x58: {  	s21 =	rddreg [dreg:$0x7];
	v2 =	vadd.s32 v1, v2  }
0x59: {  	[tilespmem:s21], [sflag:$0x2] =	stream.indirect_vreg.gather [hbm4b:s14+s4], $0x80, v3, vm2, $0xb8;
	[tilespmem:$0x6080] =	vst v63  }
0x5a: {  	s24 =	rddreg [dreg:$0x9]  }
0x5b: {  	[tilespmem:s24], [sflag:$0x2] =	stream.indirect_vreg.gather [hbm4b:s15+s4], $0x80, v3, vm2, $0xb8;
	[tilespmem:$0x6080] =	vst v63  }
0x5c: {  	s25 =	rddreg [dreg:$0xa]  }
0x5d: {  	[tilespmem:s25], [sflag:$0x2] =	stream.indirect_vreg.gather [hbm4b:s13+s4], $0x80, v2, vm2, $0xb8;
	[tilespmem:$0x6080] =	vst v63  }
0x5e: {  	s26 =	rddreg [dreg:$0xb]  }
0x5f: {  	[tilespmem:s26], [sflag:$0x2] =	stream.indirect_vreg.gather [hbm4b:s14+s4], $0x80, v2, vm2, $0xb8;
	[tilespmem:$0x6080] =	vst v63  }
0x60: {  	s28 =	rddreg [dreg:$0xc]  }
0x61: {  	[tilespmem:s28], [sflag:$0x2] =	stream.indirect_vreg.gather [hbm4b:s15+s4], $0x80, v2, vm2, $0xb8;
	[tilespmem:$0x6080] =	vst v63  }
0x62: {  	_ =	swait.ge [sflag:s16], $0x3000  }
0x63: {  	s29 =	rddreg [dreg:$0x6];
	[sflag:s16] =	ssyncset.done $0x0  }
0x64: {  	s30 =	rddreg [dreg:$0xd];
	[sflag:s16] =	ssyncadd.s32 $0xFFFFD000  }
0x65: {  	[hbm4b:s29+s4] =	stream.linear.scatter [tilespmem:s30], [sflag:$0x1], $0x3000, $0x38;
	[tilespmem:$0x6080] =	vst v63  }
0x66: {  	_ =	swait.ge [sflag:s17], $0x3000  }
0x67: {  	[sflag:s17] =	ssyncset.done $0x0  }
0x68: {  	s9 =	sadd.s32 $0xFFFFFFFF, s9;
	s31 =	rddreg [dreg:$0x8];
	[sflag:s17] =	ssyncadd.s32 $0xFFFFD000  }
0x69: {  	[hbm4b:s31+s4] =	stream.linear.scatter [tilespmem:s18], [sflag:$0x2], $0x3000, $0x38;
	[tilespmem:$0x6080] =	vst v63  }
0x6a: {  	p1 =	sne.s32 s9, $0x0;
	_ =	swait.ge [sflag:s16], $0x3000  }
.Ltmp0:
0x6b: {  	[sflag:s16] =	ssyncset.done $0x0;
	(pc) =	sbr.rel @p1 .LBB2_1-.Ltmp0, $4  }
0x6c: {  	[sflag:s16] =	ssyncadd.s32 $0xFFFFD000  }
0x6d: {  	_ =	swait.ge [sflag:s17], $0x3000  }
0x6e: {  	[sflag:s17] =	ssyncset.done $0x0  }
0x6f: {  	[sflag:s17] =	ssyncadd.s32 $0xFFFFD000  }
0x70: {  	_ =	sfence.sel $0x180000  }
0x71: {  	[bflag:$0x0] =	sbarrier.arrive $0xFFFF  }
0x72: {  	p0 =	sne.s32 s1, $0x0;
	_ =	strace $0x90000047  }
0x73: {  	s0 =	sadd.s32 @!p0 $0x100000, s0;
	[bflag:$0x2] =	sbarrier.arrive $0xFFFF  }
0x74: {  	[sflag:s0] =	ssyncadd.tile.s32 @!p0 $0x1;
	_ =	shalt  }
.Lfunc_end2:
_tile_overlayer_lowered:
.L_overlay_start_2:
0x75: {  	(tag) =	ssettag $0x2  }
0x76: {  	s0 =	rddreg [dreg:$0x0];
	s2 =	stileid.u32  }
0x77: {  	s1 =	rddreg [dreg:$0x1];
	p0 =	sne.s32 s2, $0x0  }
0x78: {  	s3 =	rddreg [dreg:$0x2];
	[bflag:$0x3] =	sbarrier.arrive $0xFFFF;
	s2 =	simm.s32 @!p0 $0x1C03  }
0x79: {  	[timem:s3], [sflag:s2] =	dma.local @!p0 [hbm:s0], s1  }
0x7a: {  	s0 =	simm.s32 @!p0 $0x3  }
0x7b: {  	_ =	swait.ge @!p0 [sflag:s0], s1  }
0x7c: {  	s1 =	ssub.s32 @!p0 $0x0, s1;
	[sflag:s0] =	ssyncset.done @!p0 $0x0  }
0x7d: {  	[sflag:s0] =	ssyncadd.s32 @!p0 s1  }
0x7e: {  	[bflag:$0x3] =	sbarrier.arrive $0xFFFF  }
0x7f: {  	_ =	shalt  }

</sc_bundles>
